<compile_context>
chip_gen: v7x
topology: tpu7x:2x2x1
jax: 0.10.2.dev20260603
libtpu: 0.0.44.dev20260713+nightly
codegen_flags: <defaults>
</compile_context>

<pallas_src>
import functools

import jax
import jax.numpy as jnp
from jax import lax
from jax.experimental import pallas as pl
from jax.experimental.pallas import tpu as pltpu
from jax.experimental.pallas import tpu_sc as plsc

N = 10000
E = 320000
D = 128

NC = 2
NS = 16
NW = NC * NS

CH = 128
NCH = 80
EPW = NCH * CH
E_PAD = EPW * NW
RPT = -(-N // (NS * CH)) * CH
N_PAD = RPT * NS

BR = 512


def _sc_aggregate_body(feat_hbm, src_hbm, dst_hbm, out_hbm, sidx_a, sidx_b,
                       didx_a, didx_b, rows_a, rows_b, agg, sem_ga, sem_gb,
                       sem_ia, sem_ib):
    c = lax.axis_index("c")
    s = lax.axis_index("s")
    w = s * NC + c
    r0 = s * RPT

    pltpu.async_copy(src_hbm.at[w, 0], sidx_a, sem_ia)
    pltpu.async_copy(dst_hbm.at[w, 0], didx_a, sem_ia)
    pltpu.async_copy(src_hbm.at[w, 1], sidx_b, sem_ib)
    pltpu.async_copy(dst_hbm.at[w, 1], didx_b, sem_ib)

    def init_i(i, carry):
        off = r0 + i * CH
        pltpu.sync_copy(feat_hbm.at[pl.ds(off, CH)], rows_a)
        pltpu.sync_copy(rows_a, agg.at[pl.ds(off, CH)])
        return carry

    lax.fori_loop(0, RPT // CH, init_i, 0)
    plsc.subcore_barrier()

    pltpu.make_async_copy(src_hbm.at[w, 0], sidx_a, sem_ia).wait()
    pltpu.make_async_copy(dst_hbm.at[w, 0], didx_a, sem_ia).wait()
    pltpu.async_copy(feat_hbm.at[sidx_a], rows_a, sem_ga)

    def edge_i(i2, carry):
        i = 2 * i2
        pltpu.make_async_copy(feat_hbm.at[sidx_a], rows_a, sem_ga).wait()
        pltpu.make_async_copy(src_hbm.at[w, 0], sidx_b, sem_ib).wait()
        pltpu.make_async_copy(dst_hbm.at[w, 0], didx_b, sem_ib).wait()
        pltpu.async_copy(feat_hbm.at[sidx_b], rows_b, sem_gb)
        pltpu.sync_copy(rows_a, agg.at[didx_a], add=True)

        @pl.when(i + 2 < NCH)
        def _():
            pltpu.async_copy(src_hbm.at[w, i + 2], sidx_a, sem_ia)
            pltpu.async_copy(dst_hbm.at[w, i + 2], didx_a, sem_ia)

        pltpu.make_async_copy(feat_hbm.at[sidx_b], rows_b, sem_gb).wait()

        @pl.when(i + 2 < NCH)
        def _():
            pltpu.make_async_copy(src_hbm.at[w, 0], sidx_a, sem_ia).wait()
            pltpu.make_async_copy(dst_hbm.at[w, 0], didx_a, sem_ia).wait()
            pltpu.async_copy(feat_hbm.at[sidx_a], rows_a, sem_ga)

        pltpu.sync_copy(rows_b, agg.at[didx_b], add=True)

        @pl.when(i + 3 < NCH)
        def _():
            pltpu.async_copy(src_hbm.at[w, i + 3], sidx_b, sem_ib)
            pltpu.async_copy(dst_hbm.at[w, i + 3], didx_b, sem_ib)

        return carry

    lax.fori_loop(0, NCH // 2, edge_i, 0)
    plsc.subcore_barrier()

    def dump_i(i, carry):
        off = r0 + i * CH
        pltpu.sync_copy(agg.at[pl.ds(off, CH)], rows_a)
        pltpu.sync_copy(rows_a, out_hbm.at[c, pl.ds(off, CH)])
        return carry

    lax.fori_loop(0, RPT // CH, dump_i, 0)


@functools.cache
def _sc_aggregate():
    return pl.kernel(
        _sc_aggregate_body,
        out_type=jax.ShapeDtypeStruct((NC, N_PAD, D), jnp.float32),
        mesh=plsc.VectorSubcoreMesh(core_axis_name="c", subcore_axis_name="s"),
        scratch_types=[
            pltpu.VMEM((CH,), jnp.int32),
            pltpu.VMEM((CH,), jnp.int32),
            pltpu.VMEM((CH,), jnp.int32),
            pltpu.VMEM((CH,), jnp.int32),
            pltpu.VMEM((CH, D), jnp.float32),
            pltpu.VMEM((CH, D), jnp.float32),
            pltpu.VMEM_SHARED((N_PAD, D), jnp.float32),
            pltpu.SemaphoreType.DMA,
            pltpu.SemaphoreType.DMA,
            pltpu.SemaphoreType.DMA,
            pltpu.SemaphoreType.DMA,
        ],
    )


def _tc_body(f_ref, a0_ref, a1_ref, wt_ref, b_ref, o_ref):
    x = a0_ref[0] + a1_ref[0] - f_ref[...]
    y = jnp.dot(x, wt_ref[...], preferred_element_type=jnp.float32)
    o_ref[...] = jnp.maximum(y + b_ref[...], 0.0)


_tc_linear = pl.pallas_call(
    _tc_body,
    grid=(pl.cdiv(N, BR),),
    in_specs=[
        pl.BlockSpec((BR, D), lambda i: (i, 0)),
        pl.BlockSpec((1, BR, D), lambda i: (0, i, 0)),
        pl.BlockSpec((1, BR, D), lambda i: (1, i, 0)),
        pl.BlockSpec((D, D), lambda i: (0, 0)),
        pl.BlockSpec((1, D), lambda i: (0, 0)),
    ],
    out_specs=pl.BlockSpec((BR, D), lambda i: (i, 0)),
    out_shape=jax.ShapeDtypeStruct((N, D), jnp.float32),
)


def kernel(feature, edge_index, W, b):
    pad_e = E_PAD - E
    pad_src = jnp.arange(pad_e, dtype=jnp.int32) % N
    src = jnp.concatenate(
        [edge_index[0], pad_src]).reshape(NW, NCH, CH)
    pad_dst = N + jnp.arange(pad_e, dtype=jnp.int32) % (N_PAD - N)
    dst = jnp.concatenate(
        [edge_index[1], pad_dst]).reshape(NW, NCH, CH)
    feat_p = jnp.concatenate(
        [feature, jnp.zeros((N_PAD - N, D), jnp.float32)])
    agg = _sc_aggregate()(feat_p, src, dst)
    return _tc_linear(feature, agg, agg, W.T, b.reshape(1, D))

# --- scband reference (transcript-rebuilt; emitter-appended) ---
"""Pipeline reference for scband-ginlayer-80633716015135 (READ-ONLY COPY).

The authoritative reference and input builder live on the scoring server;
editing this copy changes nothing except your own understanding.
"""

import jax, jax.numpy as jnp
import numpy as np

N = 10000
E = 320000
D_IN = 128
D_OUT = 128
EPS = 0.0  # learn_eps=False -> fixed buffer eps = init_eps = 0.0


def setup_inputs(seed: int = 0) -> dict:
    key = jax.random.key(seed)
    k1, k2, k3 = jax.random.split(key, 3)
    feature = jax.random.normal(k1, (N, D_IN), dtype=jnp.float32)
    edge_index = jax.random.randint(k2, (2, E), 0, N, dtype=jnp.int32)
    # Linear(in_feats, out_feats) parameters (PyTorch stores weight as [out, in])
    bound = 1.0 / np.sqrt(D_IN)
    kW, kb = jax.random.split(k3)
    W = jax.random.uniform(kW, (D_OUT, D_IN), minval=-bound, maxval=bound, dtype=jnp.float32)
    b = jax.random.uniform(kb, (D_OUT,), minval=-bound, maxval=bound, dtype=jnp.float32)
    return {"feature": feature, "edge_index": edge_index, "W": W, "b": b}


def reference(feature, edge_index, W, b):
    # DGL: update_all(copy_u('_pool_h','_m'), sum('_m','_pool_h'))
    # i.e. for each edge (src -> dst), sum src features into dst.
    src = edge_index[0]
    dst = edge_index[1]
    messages = jnp.take(feature, src, axis=0)          # gather (copy_u)
    agg = jax.ops.segment_sum(messages, dst, num_segments=N)  # scatter-add (sum reduce)
    h = (1.0 + EPS) * feature + agg
    h = h @ W.T + b
    h = jax.nn.relu(h)
    return h

if __name__ == "__main__":
    import jax
    _d = setup_inputs()
    print(jax.jit(kernel)(*tuple(_d.values())))

</pallas_src>

<mosaic_0001>
#map = affine_map<(d0, d1) -> (0, 0)>
#map1 = affine_map<(d0, d1) -> (0, 0, 0)>
module attributes {stable_mosaic.version = 14 : i64} {
  func.func @_sc_aggregate_body(%arg0: i32, %arg1: i32, %arg2: memref<10240x128xf32, #tpu.memory_space<hbm>>, %arg3: memref<32x80x128xi32, #tpu.memory_space<hbm>>, %arg4: memref<32x80x128xi32, #tpu.memory_space<hbm>>, %arg5: memref<2x10240x128xf32, #tpu.memory_space<hbm>>, %arg6: memref<128xi32, #tpu.memory_space<vmem>>, %arg7: memref<128xi32, #tpu.memory_space<vmem>>, %arg8: memref<128xi32, #tpu.memory_space<vmem>>, %arg9: memref<128xi32, #tpu.memory_space<vmem>>, %arg10: memref<128x128xf32, #tpu.memory_space<vmem>>, %arg11: memref<128x128xf32, #tpu.memory_space<vmem>>, %arg12: memref<10240x128xf32, #tpu.memory_space<vmem_shared>>, %arg13: memref<!tpu.dma_semaphore, #tpu.memory_space<semaphore_mem>>, %arg14: memref<!tpu.dma_semaphore, #tpu.memory_space<semaphore_mem>>, %arg15: memref<!tpu.dma_semaphore, #tpu.memory_space<semaphore_mem>>, %arg16: memref<!tpu.dma_semaphore, #tpu.memory_space<semaphore_mem>>) attributes {dimension_semantics = [#tpu.dimension_semantics<core_parallel>, #tpu.dimension_semantics<subcore_parallel>], iteration_bounds = array<i64: 2, 16>, scalar_prefetch = 0 : i64, scratch_operands = 11 : i64, tpu.core_type = #tpu.core_type<sc_vector_subcore>, window_params = [{transform_indices = #map}, {transform_indices = #map1}, {transform_indices = #map1}, {transform_indices = #map1}]} {
    %mul3A = arith.constant 2 : i32
    %mul3A_0 = arith.muli %arg1, %mul3A : i32
    %add3A = arith.addi %mul3A_0, %arg0 : i32
    %mul3A_1 = arith.constant 640 : i32
    %mul3A_2 = arith.muli %arg1, %mul3A_1 : i32
    %dma_start3A = arith.constant 0 : i32
    %dma_start3A_3 = arith.constant 0 : i32
    %dma_start3A_4 = tpu.memref_slice %arg3[%add3A, %dma_start3A, %dma_start3A_3] : memref<32x80x128xi32, #tpu.memory_space<hbm>> -> memref<1x1x128xi32, #tpu.memory_space<hbm>>
    %dma_start3A_5 = tpu.memref_squeeze %dma_start3A_4 : memref<1x1x128xi32, #tpu.memory_space<hbm>> -> memref<128xi32, #tpu.memory_space<hbm>>
    %dma_start3A_6 = arith.constant 0 : i32
    %dma_start3A_7 = tpu.memref_slice %arg3[%add3A, %dma_start3A, %dma_start3A_6] : memref<32x80x128xi32, #tpu.memory_space<hbm>> -> memref<1x1x128xi32, #tpu.memory_space<hbm>>
    %dma_start3A_8 = tpu.memref_squeeze %dma_start3A_7 : memref<1x1x128xi32, #tpu.memory_space<hbm>> -> memref<128xi32, #tpu.memory_space<hbm>>
    tpu.enqueue_dma source(%dma_start3A_8 : memref<128xi32, #tpu.memory_space<hbm>>) target(%arg6 : memref<128xi32, #tpu.memory_space<vmem>>) target_semaphore(%arg15 : memref<!tpu.dma_semaphore, #tpu.memory_space<semaphore_mem>>)
    %dma_start3A_9 = arith.constant 0 : i32
    %dma_start3A_10 = arith.constant 0 : i32
    %dma_start3A_11 = tpu.memref_slice %arg4[%add3A, %dma_start3A_9, %dma_start3A_10] : memref<32x80x128xi32, #tpu.memory_space<hbm>> -> memref<1x1x128xi32, #tpu.memory_space<hbm>>
    %dma_start3A_12 = tpu.memref_squeeze %dma_start3A_11 : memref<1x1x128xi32, #tpu.memory_space<hbm>> -> memref<128xi32, #tpu.memory_space<hbm>>
    %dma_start3A_13 = arith.constant 0 : i32
    %dma_start3A_14 = tpu.memref_slice %arg4[%add3A, %dma_start3A_9, %dma_start3A_13] : memref<32x80x128xi32, #tpu.memory_space<hbm>> -> memref<1x1x128xi32, #tpu.memory_space<hbm>>
    %dma_start3A_15 = tpu.memref_squeeze %dma_start3A_14 : memref<1x1x128xi32, #tpu.memory_space<hbm>> -> memref<128xi32, #tpu.memory_space<hbm>>
    tpu.enqueue_dma source(%dma_start3A_15 : memref<128xi32, #tpu.memory_space<hbm>>) target(%arg8 : memref<128xi32, #tpu.memory_space<vmem>>) target_semaphore(%arg15 : memref<!tpu.dma_semaphore, #tpu.memory_space<semaphore_mem>>)
    %dma_start3A_16 = arith.constant 1 : i32
    %dma_start3A_17 = arith.constant 0 : i32
    %dma_start3A_18 = tpu.memref_slice %arg3[%add3A, %dma_start3A_16, %dma_start3A_17] : memref<32x80x128xi32, #tpu.memory_space<hbm>> -> memref<1x1x128xi32, #tpu.memory_space<hbm>>
    %dma_start3A_19 = tpu.memref_squeeze %dma_start3A_18 : memref<1x1x128xi32, #tpu.memory_space<hbm>> -> memref<128xi32, #tpu.memory_space<hbm>>
    %dma_start3A_20 = arith.constant 0 : i32
    %dma_start3A_21 = tpu.memref_slice %arg3[%add3A, %dma_start3A_16, %dma_start3A_20] : memref<32x80x128xi32, #tpu.memory_space<hbm>> -> memref<1x1x128xi32, #tpu.memory_space<hbm>>
    %dma_start3A_22 = tpu.memref_squeeze %dma_start3A_21 : memref<1x1x128xi32, #tpu.memory_space<hbm>> -> memref<128xi32, #tpu.memory_space<hbm>>
    tpu.enqueue_dma source(%dma_start3A_22 : memref<128xi32, #tpu.memory_space<hbm>>) target(%arg7 : memref<128xi32, #tpu.memory_space<vmem>>) target_semaphore(%arg16 : memref<!tpu.dma_semaphore, #tpu.memory_space<semaphore_mem>>)
    %dma_start3A_23 = arith.constant 1 : i32
    %dma_start3A_24 = arith.constant 0 : i32
    %dma_start3A_25 = tpu.memref_slice %arg4[%add3A, %dma_start3A_23, %dma_start3A_24] : memref<32x80x128xi32, #tpu.memory_space<hbm>> -> memref<1x1x128xi32, #tpu.memory_space<hbm>>
    %dma_start3A_26 = tpu.memref_squeeze %dma_start3A_25 : memref<1x1x128xi32, #tpu.memory_space<hbm>> -> memref<128xi32, #tpu.memory_space<hbm>>
    %dma_start3A_27 = arith.constant 0 : i32
    %dma_start3A_28 = tpu.memref_slice %arg4[%add3A, %dma_start3A_23, %dma_start3A_27] : memref<32x80x128xi32, #tpu.memory_space<hbm>> -> memref<1x1x128xi32, #tpu.memory_space<hbm>>
    %dma_start3A_29 = tpu.memref_squeeze %dma_start3A_28 : memref<1x1x128xi32, #tpu.memory_space<hbm>> -> memref<128xi32, #tpu.memory_space<hbm>>
    tpu.enqueue_dma source(%dma_start3A_29 : memref<128xi32, #tpu.memory_space<hbm>>) target(%arg9 : memref<128xi32, #tpu.memory_space<vmem>>) target_semaphore(%arg16 : memref<!tpu.dma_semaphore, #tpu.memory_space<semaphore_mem>>)
    %scan3A = arith.constant 0 : i32
    %scan3A_30 = arith.constant 0 : i32
    %scan3A_31 = arith.constant 5 : i32
    %scan3A_32 = arith.addi %scan3A_30, %scan3A_31 : i32
    %scan3A_33 = arith.constant 1 : i32
    scf.for %scan3A_64 = %scan3A_30 to %scan3A_32 step %scan3A_33  : i32 {
      %mul3A_65 = arith.constant 128 : i32
      %mul3A_66 = arith.muli %scan3A_64, %mul3A_65 : i32
      %add3A_67 = arith.addi %mul3A_2, %mul3A_66 : i32
      "tpu.region"() ({
        %run_scoped3A = tpu.sem_alloc : memref<!tpu.dma_semaphore, #tpu.memory_space<semaphore_mem>>
        %dma_start3A_68 = arith.constant 0 : i32
        %dma_start3A_69 = tpu.memref_slice %arg2[%add3A_67, %dma_start3A_68] : memref<10240x128xf32, #tpu.memory_space<hbm>> -> memref<128x128xf32, #tpu.memory_space<hbm>>
        %dma_start3A_70 = arith.constant 0 : i32
        %dma_start3A_71 = tpu.memref_slice %arg2[%add3A_67, %dma_start3A_70] : memref<10240x128xf32, #tpu.memory_space<hbm>> -> memref<128x128xf32, #tpu.memory_space<hbm>>
        tpu.enqueue_dma source(%dma_start3A_71 : memref<128x128xf32, #tpu.memory_space<hbm>>) target(%arg10 : memref<128x128xf32, #tpu.memory_space<vmem>>) target_semaphore(%run_scoped3A : memref<!tpu.dma_semaphore, #tpu.memory_space<semaphore_mem>>)
        %dma_wait3A_72 = arith.constant 0 : i32
        %dma_wait3A_73 = tpu.memref_slice %arg2[%add3A_67, %dma_wait3A_72] : memref<10240x128xf32, #tpu.memory_space<hbm>> -> memref<128x128xf32, #tpu.memory_space<hbm>>
        %dma_wait3A_74 = arith.constant 0 : i32
        %dma_wait3A_75 = tpu.memref_slice %arg2[%add3A_67, %dma_wait3A_74] : memref<10240x128xf32, #tpu.memory_space<hbm>> -> memref<128x128xf32, #tpu.memory_space<hbm>>
        tpu.wait_dma2 semaphore(%run_scoped3A : memref<!tpu.dma_semaphore, #tpu.memory_space<semaphore_mem>>) src(%dma_wait3A_75 : memref<128x128xf32, #tpu.memory_space<hbm>>) dst(%arg10 : memref<128x128xf32, #tpu.memory_space<vmem>>)
        tpu.yield
      }) : () -> ()
      "tpu.region"() ({
        %run_scoped3A = tpu.sem_alloc : memref<!tpu.dma_semaphore, #tpu.memory_space<semaphore_mem>>
        %dma_start3A_68 = arith.constant 0 : i32
        %dma_start3A_69 = tpu.memref_slice %arg12[%add3A_67, %dma_start3A_68] : memref<10240x128xf32, #tpu.memory_space<vmem_shared>> -> memref<128x128xf32, #tpu.memory_space<vmem_shared>>
        %dma_start3A_70 = arith.constant 0 : i32
        %dma_start3A_71 = tpu.memref_slice %arg12[%add3A_67, %dma_start3A_70] : memref<10240x128xf32, #tpu.memory_space<vmem_shared>> -> memref<128x128xf32, #tpu.memory_space<vmem_shared>>
        tpu.enqueue_dma source(%arg10 : memref<128x128xf32, #tpu.memory_space<vmem>>) target(%dma_start3A_71 : memref<128x128xf32, #tpu.memory_space<vmem_shared>>) target_semaphore(%run_scoped3A : memref<!tpu.dma_semaphore, #tpu.memory_space<semaphore_mem>>)
        %dma_wait3A_72 = arith.constant 0 : i32
        %dma_wait3A_73 = tpu.memref_slice %arg12[%add3A_67, %dma_wait3A_72] : memref<10240x128xf32, #tpu.memory_space<vmem_shared>> -> memref<128x128xf32, #tpu.memory_space<vmem_shared>>
        %dma_wait3A_74 = arith.constant 0 : i32
        %dma_wait3A_75 = tpu.memref_slice %arg12[%add3A_67, %dma_wait3A_74] : memref<10240x128xf32, #tpu.memory_space<vmem_shared>> -> memref<128x128xf32, #tpu.memory_space<vmem_shared>>
        tpu.wait_dma2 semaphore(%run_scoped3A : memref<!tpu.dma_semaphore, #tpu.memory_space<semaphore_mem>>) src(%arg10 : memref<128x128xf32, #tpu.memory_space<vmem>>) dst(%dma_wait3A_75 : memref<128x128xf32, #tpu.memory_space<vmem_shared>>)
        tpu.yield
      }) : () -> ()
    }
    %scan3A_34 = arith.constant 5 : i32
    %barrier3A = arith.constant 0 : index
    tpu.barrier barrier_id(%barrier3A)
    %dma_wait3A = arith.constant 0 : i32
    %dma_wait3A_35 = arith.constant 0 : i32
    %dma_wait3A_36 = tpu.memref_slice %arg3[%add3A, %dma_wait3A, %dma_wait3A_35] : memref<32x80x128xi32, #tpu.memory_space<hbm>> -> memref<1x1x128xi32, #tpu.memory_space<hbm>>
    %dma_wait3A_37 = tpu.memref_squeeze %dma_wait3A_36 : memref<1x1x128xi32, #tpu.memory_space<hbm>> -> memref<128xi32, #tpu.memory_space<hbm>>
    %dma_wait3A_38 = arith.constant 0 : i32
    %dma_wait3A_39 = tpu.memref_slice %arg3[%add3A, %dma_wait3A, %dma_wait3A_38] : memref<32x80x128xi32, #tpu.memory_space<hbm>> -> memref<1x1x128xi32, #tpu.memory_space<hbm>>
    %dma_wait3A_40 = tpu.memref_squeeze %dma_wait3A_39 : memref<1x1x128xi32, #tpu.memory_space<hbm>> -> memref<128xi32, #tpu.memory_space<hbm>>
    tpu.wait_dma2 semaphore(%arg15 : memref<!tpu.dma_semaphore, #tpu.memory_space<semaphore_mem>>) src(%dma_wait3A_40 : memref<128xi32, #tpu.memory_space<hbm>>) dst(%arg6 : memref<128xi32, #tpu.memory_space<vmem>>)
    %dma_wait3A_41 = arith.constant 0 : i32
    %dma_wait3A_42 = arith.constant 0 : i32
    %dma_wait3A_43 = tpu.memref_slice %arg4[%add3A, %dma_wait3A_41, %dma_wait3A_42] : memref<32x80x128xi32, #tpu.memory_space<hbm>> -> memref<1x1x128xi32, #tpu.memory_space<hbm>>
    %dma_wait3A_44 = tpu.memref_squeeze %dma_wait3A_43 : memref<1x1x128xi32, #tpu.memory_space<hbm>> -> memref<128xi32, #tpu.memory_space<hbm>>
    %dma_wait3A_45 = arith.constant 0 : i32
    %dma_wait3A_46 = tpu.memref_slice %arg4[%add3A, %dma_wait3A_41, %dma_wait3A_45] : memref<32x80x128xi32, #tpu.memory_space<hbm>> -> memref<1x1x128xi32, #tpu.memory_space<hbm>>
    %dma_wait3A_47 = tpu.memref_squeeze %dma_wait3A_46 : memref<1x1x128xi32, #tpu.memory_space<hbm>> -> memref<128xi32, #tpu.memory_space<hbm>>
    tpu.wait_dma2 semaphore(%arg15 : memref<!tpu.dma_semaphore, #tpu.memory_space<semaphore_mem>>) src(%dma_wait3A_47 : memref<128xi32, #tpu.memory_space<hbm>>) dst(%arg8 : memref<128xi32, #tpu.memory_space<vmem>>)
    %dma_start3A_48 = arith.constant 0 : i32
    %dma_start3A_49 = arith.constant 0 : i32
    %dma_start3A_50 = tpu.memref_slice %arg2[%dma_start3A_48, %dma_start3A_49] : memref<10240x128xf32, #tpu.memory_space<hbm>> -> memref<10240x128xf32, #tpu.memory_space<hbm>>
    tpu.enqueue_indirect_dma source(%dma_start3A_50 : memref<10240x128xf32, #tpu.memory_space<hbm>>) target(%arg10 : memref<128x128xf32, #tpu.memory_space<vmem>>) offsets(%arg6 : memref<128xi32, #tpu.memory_space<vmem>>) semaphore(%arg13 : memref<!tpu.dma_semaphore, #tpu.memory_space<semaphore_mem>>)
    %scan3A_51 = arith.constant 0 : i32
    %scan3A_52 = arith.constant 0 : i32
    %scan3A_53 = arith.constant 40 : i32
    %scan3A_54 = arith.addi %scan3A_52, %scan3A_53 : i32
    %scan3A_55 = arith.constant 1 : i32
    scf.for %scan3A_64 = %scan3A_52 to %scan3A_54 step %scan3A_55  : i32 {
      %mul3A_65 = arith.constant 2 : i32
      %mul3A_66 = arith.muli %mul3A_65, %scan3A_64 : i32
      %dma_wait3A_67 = arith.constant 0 : i32
      %dma_wait3A_68 = arith.constant 0 : i32
      %dma_wait3A_69 = tpu.memref_slice %arg2[%dma_wait3A_67, %dma_wait3A_68] : memref<10240x128xf32, #tpu.memory_space<hbm>> -> memref<10240x128xf32, #tpu.memory_space<hbm>>
      tpu.wait_indirect_dma semaphore(%arg13 : memref<!tpu.dma_semaphore, #tpu.memory_space<semaphore_mem>>) src(%dma_wait3A_69 : memref<10240x128xf32, #tpu.memory_space<hbm>>) dst(%arg10 : memref<128x128xf32, #tpu.memory_space<vmem>>)
      %dma_wait3A_70 = arith.constant 0 : i32
      %dma_wait3A_71 = arith.constant 0 : i32
      %dma_wait3A_72 = tpu.memref_slice %arg3[%add3A, %dma_wait3A_70, %dma_wait3A_71] : memref<32x80x128xi32, #tpu.memory_space<hbm>> -> memref<1x1x128xi32, #tpu.memory_space<hbm>>
      %dma_wait3A_73 = tpu.memref_squeeze %dma_wait3A_72 : memref<1x1x128xi32, #tpu.memory_space<hbm>> -> memref<128xi32, #tpu.memory_space<hbm>>
      %dma_wait3A_74 = arith.constant 0 : i32
      %dma_wait3A_75 = tpu.memref_slice %arg3[%add3A, %dma_wait3A_70, %dma_wait3A_74] : memref<32x80x128xi32, #tpu.memory_space<hbm>> -> memref<1x1x128xi32, #tpu.memory_space<hbm>>
      %dma_wait3A_76 = tpu.memref_squeeze %dma_wait3A_75 : memref<1x1x128xi32, #tpu.memory_space<hbm>> -> memref<128xi32, #tpu.memory_space<hbm>>
      tpu.wait_dma2 semaphore(%arg16 : memref<!tpu.dma_semaphore, #tpu.memory_space<semaphore_mem>>) src(%dma_wait3A_76 : memref<128xi32, #tpu.memory_space<hbm>>) dst(%arg7 : memref<128xi32, #tpu.memory_space<vmem>>)
      %dma_wait3A_77 = arith.constant 0 : i32
      %dma_wait3A_78 = arith.constant 0 : i32
      %dma_wait3A_79 = tpu.memref_slice %arg4[%add3A, %dma_wait3A_77, %dma_wait3A_78] : memref<32x80x128xi32, #tpu.memory_space<hbm>> -> memref<1x1x128xi32, #tpu.memory_space<hbm>>
      %dma_wait3A_80 = tpu.memref_squeeze %dma_wait3A_79 : memref<1x1x128xi32, #tpu.memory_space<hbm>> -> memref<128xi32, #tpu.memory_space<hbm>>
      %dma_wait3A_81 = arith.constant 0 : i32
      %dma_wait3A_82 = tpu.memref_slice %arg4[%add3A, %dma_wait3A_77, %dma_wait3A_81] : memref<32x80x128xi32, #tpu.memory_space<hbm>> -> memref<1x1x128xi32, #tpu.memory_space<hbm>>
      %dma_wait3A_83 = tpu.memref_squeeze %dma_wait3A_82 : memref<1x1x128xi32, #tpu.memory_space<hbm>> -> memref<128xi32, #tpu.memory_space<hbm>>
      tpu.wait_dma2 semaphore(%arg16 : memref<!tpu.dma_semaphore, #tpu.memory_space<semaphore_mem>>) src(%dma_wait3A_83 : memref<128xi32, #tpu.memory_space<hbm>>) dst(%arg9 : memref<128xi32, #tpu.memory_space<vmem>>)
      %dma_start3A_84 = arith.constant 0 : i32
      %dma_start3A_85 = arith.constant 0 : i32
      %dma_start3A_86 = tpu.memref_slice %arg2[%dma_start3A_84, %dma_start3A_85] : memref<10240x128xf32, #tpu.memory_space<hbm>> -> memref<10240x128xf32, #tpu.memory_space<hbm>>
      tpu.enqueue_indirect_dma source(%dma_start3A_86 : memref<10240x128xf32, #tpu.memory_space<hbm>>) target(%arg11 : memref<128x128xf32, #tpu.memory_space<vmem>>) offsets(%arg7 : memref<128xi32, #tpu.memory_space<vmem>>) semaphore(%arg14 : memref<!tpu.dma_semaphore, #tpu.memory_space<semaphore_mem>>)
      "tpu.region"() ({
        %run_scoped3A = tpu.sem_alloc : memref<!tpu.dma_semaphore, #tpu.memory_space<semaphore_mem>>
        %dma_start3A_108 = arith.constant 0 : i32
        %dma_start3A_109 = arith.constant 0 : i32
        %dma_start3A_110 = tpu.memref_slice %arg12[%dma_start3A_108, %dma_start3A_109] : memref<10240x128xf32, #tpu.memory_space<vmem_shared>> -> memref<10240x128xf32, #tpu.memory_space<vmem_shared>>
        tpu.enqueue_indirect_dma source(%arg10 : memref<128x128xf32, #tpu.memory_space<vmem>>) target(%dma_start3A_110 : memref<10240x128xf32, #tpu.memory_space<vmem_shared>>) offsets(%arg8 : memref<128xi32, #tpu.memory_space<vmem>>) semaphore(%run_scoped3A : memref<!tpu.dma_semaphore, #tpu.memory_space<semaphore_mem>>) {add = true}
        %dma_wait3A_111 = arith.constant 0 : i32
        %dma_wait3A_112 = arith.constant 0 : i32
        %dma_wait3A_113 = tpu.memref_slice %arg12[%dma_wait3A_111, %dma_wait3A_112] : memref<10240x128xf32, #tpu.memory_space<vmem_shared>> -> memref<10240x128xf32, #tpu.memory_space<vmem_shared>>
        tpu.wait_indirect_dma semaphore(%run_scoped3A : memref<!tpu.dma_semaphore, #tpu.memory_space<semaphore_mem>>) src(%arg10 : memref<128x128xf32, #tpu.memory_space<vmem>>) dst(%dma_wait3A_113 : memref<10240x128xf32, #tpu.memory_space<vmem_shared>>)
        tpu.yield
      }) : () -> ()
      %add3A_87 = arith.constant 2 : i32
      %add3A_88 = arith.addi %mul3A_66, %add3A_87 : i32
      %lt3A = arith.constant 80 : i32
      %lt3A_89 = arith.cmpi slt, %add3A_88, %lt3A : i32
      %convert_element_type3A = arith.extui %lt3A_89 : i1 to i32
      %cond3A = arith.constant 0 : i32
      %cond3A_90 = arith.cmpi ne, %convert_element_type3A, %cond3A : i32
      scf.if %cond3A_90 {
        %add3A_108 = arith.constant 2 : i32
        %add3A_109 = arith.addi %mul3A_66, %add3A_108 : i32
        %dma_start3A_110 = arith.constant 0 : i32
        %dma_start3A_111 = tpu.memref_slice %arg3[%add3A, %add3A_109, %dma_start3A_110] : memref<32x80x128xi32, #tpu.memory_space<hbm>> -> memref<1x1x128xi32, #tpu.memory_space<hbm>>
        %dma_start3A_112 = tpu.memref_squeeze %dma_start3A_111 : memref<1x1x128xi32, #tpu.memory_space<hbm>> -> memref<128xi32, #tpu.memory_space<hbm>>
        %dma_start3A_113 = arith.constant 0 : i32
        %dma_start3A_114 = tpu.memref_slice %arg3[%add3A, %add3A_109, %dma_start3A_113] : memref<32x80x128xi32, #tpu.memory_space<hbm>> -> memref<1x1x128xi32, #tpu.memory_space<hbm>>
        %dma_start3A_115 = tpu.memref_squeeze %dma_start3A_114 : memref<1x1x128xi32, #tpu.memory_space<hbm>> -> memref<128xi32, #tpu.memory_space<hbm>>
        tpu.enqueue_dma source(%dma_start3A_115 : memref<128xi32, #tpu.memory_space<hbm>>) target(%arg6 : memref<128xi32, #tpu.memory_space<vmem>>) target_semaphore(%arg15 : memref<!tpu.dma_semaphore, #tpu.memory_space<semaphore_mem>>)
        %add3A_116 = arith.constant 2 : i32
        %add3A_117 = arith.addi %mul3A_66, %add3A_116 : i32
        %dma_start3A_118 = arith.constant 0 : i32
        %dma_start3A_119 = tpu.memref_slice %arg4[%add3A, %add3A_117, %dma_start3A_118] : memref<32x80x128xi32, #tpu.memory_space<hbm>> -> memref<1x1x128xi32, #tpu.memory_space<hbm>>
        %dma_start3A_120 = tpu.memref_squeeze %dma_start3A_119 : memref<1x1x128xi32, #tpu.memory_space<hbm>> -> memref<128xi32, #tpu.memory_space<hbm>>
        %dma_start3A_121 = arith.constant 0 : i32
        %dma_start3A_122 = tpu.memref_slice %arg4[%add3A, %add3A_117, %dma_start3A_121] : memref<32x80x128xi32, #tpu.memory_space<hbm>> -> memref<1x1x128xi32, #tpu.memory_space<hbm>>
        %dma_start3A_123 = tpu.memref_squeeze %dma_start3A_122 : memref<1x1x128xi32, #tpu.memory_space<hbm>> -> memref<128xi32, #tpu.memory_space<hbm>>
        tpu.enqueue_dma source(%dma_start3A_123 : memref<128xi32, #tpu.memory_space<hbm>>) target(%arg8 : memref<128xi32, #tpu.memory_space<vmem>>) target_semaphore(%arg15 : memref<!tpu.dma_semaphore, #tpu.memory_space<semaphore_mem>>)
      } else {
      }
      %dma_wait3A_91 = arith.constant 0 : i32
      %dma_wait3A_92 = arith.constant 0 : i32
      %dma_wait3A_93 = tpu.memref_slice %arg2[%dma_wait3A_91, %dma_wait3A_92] : memref<10240x128xf32, #tpu.memory_space<hbm>> -> memref<10240x128xf32, #tpu.memory_space<hbm>>
      tpu.wait_indirect_dma semaphore(%arg14 : memref<!tpu.dma_semaphore, #tpu.memory_space<semaphore_mem>>) src(%dma_wait3A_93 : memref<10240x128xf32, #tpu.memory_space<hbm>>) dst(%arg11 : memref<128x128xf32, #tpu.memory_space<vmem>>)
      %add3A_94 = arith.constant 2 : i32
      %add3A_95 = arith.addi %mul3A_66, %add3A_94 : i32
      %lt3A_96 = arith.constant 80 : i32
      %lt3A_97 = arith.cmpi slt, %add3A_95, %lt3A_96 : i32
      %convert_element_type3A_98 = arith.extui %lt3A_97 : i1 to i32
      %cond3A_99 = arith.constant 0 : i32
      %cond3A_100 = arith.cmpi ne, %convert_element_type3A_98, %cond3A_99 : i32
      scf.if %cond3A_100 {
        %dma_wait3A_108 = arith.constant 0 : i32
        %dma_wait3A_109 = arith.constant 0 : i32
        %dma_wait3A_110 = tpu.memref_slice %arg3[%add3A, %dma_wait3A_108, %dma_wait3A_109] : memref<32x80x128xi32, #tpu.memory_space<hbm>> -> memref<1x1x128xi32, #tpu.memory_space<hbm>>
        %dma_wait3A_111 = tpu.memref_squeeze %dma_wait3A_110 : memref<1x1x128xi32, #tpu.memory_space<hbm>> -> memref<128xi32, #tpu.memory_space<hbm>>
        %dma_wait3A_112 = arith.constant 0 : i32
        %dma_wait3A_113 = tpu.memref_slice %arg3[%add3A, %dma_wait3A_108, %dma_wait3A_112] : memref<32x80x128xi32, #tpu.memory_space<hbm>> -> memref<1x1x128xi32, #tpu.memory_space<hbm>>
        %dma_wait3A_114 = tpu.memref_squeeze %dma_wait3A_113 : memref<1x1x128xi32, #tpu.memory_space<hbm>> -> memref<128xi32, #tpu.memory_space<hbm>>
        tpu.wait_dma2 semaphore(%arg15 : memref<!tpu.dma_semaphore, #tpu.memory_space<semaphore_mem>>) src(%dma_wait3A_114 : memref<128xi32, #tpu.memory_space<hbm>>) dst(%arg6 : memref<128xi32, #tpu.memory_space<vmem>>)
        %dma_wait3A_115 = arith.constant 0 : i32
        %dma_wait3A_116 = arith.constant 0 : i32
        %dma_wait3A_117 = tpu.memref_slice %arg4[%add3A, %dma_wait3A_115, %dma_wait3A_116] : memref<32x80x128xi32, #tpu.memory_space<hbm>> -> memref<1x1x128xi32, #tpu.memory_space<hbm>>
        %dma_wait3A_118 = tpu.memref_squeeze %dma_wait3A_117 : memref<1x1x128xi32, #tpu.memory_space<hbm>> -> memref<128xi32, #tpu.memory_space<hbm>>
        %dma_wait3A_119 = arith.constant 0 : i32
        %dma_wait3A_120 = tpu.memref_slice %arg4[%add3A, %dma_wait3A_115, %dma_wait3A_119] : memref<32x80x128xi32, #tpu.memory_space<hbm>> -> memref<1x1x128xi32, #tpu.memory_space<hbm>>
        %dma_wait3A_121 = tpu.memref_squeeze %dma_wait3A_120 : memref<1x1x128xi32, #tpu.memory_space<hbm>> -> memref<128xi32, #tpu.memory_space<hbm>>
        tpu.wait_dma2 semaphore(%arg15 : memref<!tpu.dma_semaphore, #tpu.memory_space<semaphore_mem>>) src(%dma_wait3A_121 : memref<128xi32, #tpu.memory_space<hbm>>) dst(%arg8 : memref<128xi32, #tpu.memory_space<vmem>>)
        %dma_start3A_122 = arith.constant 0 : i32
        %dma_start3A_123 = arith.constant 0 : i32
        %dma_start3A_124 = tpu.memref_slice %arg2[%dma_start3A_122, %dma_start3A_123] : memref<10240x128xf32, #tpu.memory_space<hbm>> -> memref<10240x128xf32, #tpu.memory_space<hbm>>
        tpu.enqueue_indirect_dma source(%dma_start3A_124 : memref<10240x128xf32, #tpu.memory_space<hbm>>) target(%arg10 : memref<128x128xf32, #tpu.memory_space<vmem>>) offsets(%arg6 : memref<128xi32, #tpu.memory_space<vmem>>) semaphore(%arg13 : memref<!tpu.dma_semaphore, #tpu.memory_space<semaphore_mem>>)
      } else {
      }
      "tpu.region"() ({
        %run_scoped3A = tpu.sem_alloc : memref<!tpu.dma_semaphore, #tpu.memory_space<semaphore_mem>>
        %dma_start3A_108 = arith.constant 0 : i32
        %dma_start3A_109 = arith.constant 0 : i32
        %dma_start3A_110 = tpu.memref_slice %arg12[%dma_start3A_108, %dma_start3A_109] : memref<10240x128xf32, #tpu.memory_space<vmem_shared>> -> memref<10240x128xf32, #tpu.memory_space<vmem_shared>>
        tpu.enqueue_indirect_dma source(%arg11 : memref<128x128xf32, #tpu.memory_space<vmem>>) target(%dma_start3A_110 : memref<10240x128xf32, #tpu.memory_space<vmem_shared>>) offsets(%arg9 : memref<128xi32, #tpu.memory_space<vmem>>) semaphore(%run_scoped3A : memref<!tpu.dma_semaphore, #tpu.memory_space<semaphore_mem>>) {add = true}
        %dma_wait3A_111 = arith.constant 0 : i32
        %dma_wait3A_112 = arith.constant 0 : i32
        %dma_wait3A_113 = tpu.memref_slice %arg12[%dma_wait3A_111, %dma_wait3A_112] : memref<10240x128xf32, #tpu.memory_space<vmem_shared>> -> memref<10240x128xf32, #tpu.memory_space<vmem_shared>>
        tpu.wait_indirect_dma semaphore(%run_scoped3A : memref<!tpu.dma_semaphore, #tpu.memory_space<semaphore_mem>>) src(%arg11 : memref<128x128xf32, #tpu.memory_space<vmem>>) dst(%dma_wait3A_113 : memref<10240x128xf32, #tpu.memory_space<vmem_shared>>)
        tpu.yield
      }) : () -> ()
      %add3A_101 = arith.constant 3 : i32
      %add3A_102 = arith.addi %mul3A_66, %add3A_101 : i32
      %lt3A_103 = arith.constant 80 : i32
      %lt3A_104 = arith.cmpi slt, %add3A_102, %lt3A_103 : i32
      %convert_element_type3A_105 = arith.extui %lt3A_104 : i1 to i32
      %cond3A_106 = arith.constant 0 : i32
      %cond3A_107 = arith.cmpi ne, %convert_element_type3A_105, %cond3A_106 : i32
      scf.if %cond3A_107 {
        %add3A_108 = arith.constant 3 : i32
        %add3A_109 = arith.addi %mul3A_66, %add3A_108 : i32
        %dma_start3A_110 = arith.constant 0 : i32
        %dma_start3A_111 = tpu.memref_slice %arg3[%add3A, %add3A_109, %dma_start3A_110] : memref<32x80x128xi32, #tpu.memory_space<hbm>> -> memref<1x1x128xi32, #tpu.memory_space<hbm>>
        %dma_start3A_112 = tpu.memref_squeeze %dma_start3A_111 : memref<1x1x128xi32, #tpu.memory_space<hbm>> -> memref<128xi32, #tpu.memory_space<hbm>>
        %dma_start3A_113 = arith.constant 0 : i32
        %dma_start3A_114 = tpu.memref_slice %arg3[%add3A, %add3A_109, %dma_start3A_113] : memref<32x80x128xi32, #tpu.memory_space<hbm>> -> memref<1x1x128xi32, #tpu.memory_space<hbm>>
        %dma_start3A_115 = tpu.memref_squeeze %dma_start3A_114 : memref<1x1x128xi32, #tpu.memory_space<hbm>> -> memref<128xi32, #tpu.memory_space<hbm>>
        tpu.enqueue_dma source(%dma_start3A_115 : memref<128xi32, #tpu.memory_space<hbm>>) target(%arg7 : memref<128xi32, #tpu.memory_space<vmem>>) target_semaphore(%arg16 : memref<!tpu.dma_semaphore, #tpu.memory_space<semaphore_mem>>)
        %add3A_116 = arith.constant 3 : i32
        %add3A_117 = arith.addi %mul3A_66, %add3A_116 : i32
        %dma_start3A_118 = arith.constant 0 : i32
        %dma_start3A_119 = tpu.memref_slice %arg4[%add3A, %add3A_117, %dma_start3A_118] : memref<32x80x128xi32, #tpu.memory_space<hbm>> -> memref<1x1x128xi32, #tpu.memory_space<hbm>>
        %dma_start3A_120 = tpu.memref_squeeze %dma_start3A_119 : memref<1x1x128xi32, #tpu.memory_space<hbm>> -> memref<128xi32, #tpu.memory_space<hbm>>
        %dma_start3A_121 = arith.constant 0 : i32
        %dma_start3A_122 = tpu.memref_slice %arg4[%add3A, %add3A_117, %dma_start3A_121] : memref<32x80x128xi32, #tpu.memory_space<hbm>> -> memref<1x1x128xi32, #tpu.memory_space<hbm>>
        %dma_start3A_123 = tpu.memref_squeeze %dma_start3A_122 : memref<1x1x128xi32, #tpu.memory_space<hbm>> -> memref<128xi32, #tpu.memory_space<hbm>>
        tpu.enqueue_dma source(%dma_start3A_123 : memref<128xi32, #tpu.memory_space<hbm>>) target(%arg9 : memref<128xi32, #tpu.memory_space<vmem>>) target_semaphore(%arg16 : memref<!tpu.dma_semaphore, #tpu.memory_space<semaphore_mem>>)
      } else {
      }
    }
    %scan3A_56 = arith.constant 40 : i32
    %barrier3A_57 = arith.constant 0 : index
    tpu.barrier barrier_id(%barrier3A_57)
    %scan3A_58 = arith.constant 0 : i32
    %scan3A_59 = arith.constant 0 : i32
    %scan3A_60 = arith.constant 5 : i32
    %scan3A_61 = arith.addi %scan3A_59, %scan3A_60 : i32
    %scan3A_62 = arith.constant 1 : i32
    scf.for %scan3A_64 = %scan3A_59 to %scan3A_61 step %scan3A_62  : i32 {
      %mul3A_65 = arith.constant 128 : i32
      %mul3A_66 = arith.muli %scan3A_64, %mul3A_65 : i32
      %add3A_67 = arith.addi %mul3A_2, %mul3A_66 : i32
      "tpu.region"() ({
        %run_scoped3A = tpu.sem_alloc : memref<!tpu.dma_semaphore, #tpu.memory_space<semaphore_mem>>
        %dma_start3A_68 = arith.constant 0 : i32
        %dma_start3A_69 = tpu.memref_slice %arg12[%add3A_67, %dma_start3A_68] : memref<10240x128xf32, #tpu.memory_space<vmem_shared>> -> memref<128x128xf32, #tpu.memory_space<vmem_shared>>
        %dma_start3A_70 = arith.constant 0 : i32
        %dma_start3A_71 = tpu.memref_slice %arg12[%add3A_67, %dma_start3A_70] : memref<10240x128xf32, #tpu.memory_space<vmem_shared>> -> memref<128x128xf32, #tpu.memory_space<vmem_shared>>
        tpu.enqueue_dma source(%dma_start3A_71 : memref<128x128xf32, #tpu.memory_space<vmem_shared>>) target(%arg10 : memref<128x128xf32, #tpu.memory_space<vmem>>) target_semaphore(%run_scoped3A : memref<!tpu.dma_semaphore, #tpu.memory_space<semaphore_mem>>)
        %dma_wait3A_72 = arith.constant 0 : i32
        %dma_wait3A_73 = tpu.memref_slice %arg12[%add3A_67, %dma_wait3A_72] : memref<10240x128xf32, #tpu.memory_space<vmem_shared>> -> memref<128x128xf32, #tpu.memory_space<vmem_shared>>
        %dma_wait3A_74 = arith.constant 0 : i32
        %dma_wait3A_75 = tpu.memref_slice %arg12[%add3A_67, %dma_wait3A_74] : memref<10240x128xf32, #tpu.memory_space<vmem_shared>> -> memref<128x128xf32, #tpu.memory_space<vmem_shared>>
        tpu.wait_dma2 semaphore(%run_scoped3A : memref<!tpu.dma_semaphore, #tpu.memory_space<semaphore_mem>>) src(%dma_wait3A_75 : memref<128x128xf32, #tpu.memory_space<vmem_shared>>) dst(%arg10 : memref<128x128xf32, #tpu.memory_space<vmem>>)
        tpu.yield
      }) : () -> ()
      "tpu.region"() ({
        %run_scoped3A = tpu.sem_alloc : memref<!tpu.dma_semaphore, #tpu.memory_space<semaphore_mem>>
        %dma_start3A_68 = arith.constant 0 : i32
        %dma_start3A_69 = tpu.memref_slice %arg5[%arg0, %add3A_67, %dma_start3A_68] : memref<2x10240x128xf32, #tpu.memory_space<hbm>> -> memref<1x128x128xf32, #tpu.memory_space<hbm>>
        %dma_start3A_70 = tpu.memref_squeeze %dma_start3A_69 : memref<1x128x128xf32, #tpu.memory_space<hbm>> -> memref<128x128xf32, #tpu.memory_space<hbm>>
        %dma_start3A_71 = arith.constant 0 : i32
        %dma_start3A_72 = tpu.memref_slice %arg5[%arg0, %add3A_67, %dma_start3A_71] : memref<2x10240x128xf32, #tpu.memory_space<hbm>> -> memref<1x128x128xf32, #tpu.memory_space<hbm>>
        %dma_start3A_73 = tpu.memref_squeeze %dma_start3A_72 : memref<1x128x128xf32, #tpu.memory_space<hbm>> -> memref<128x128xf32, #tpu.memory_space<hbm>>
        tpu.enqueue_dma source(%arg10 : memref<128x128xf32, #tpu.memory_space<vmem>>) target(%dma_start3A_73 : memref<128x128xf32, #tpu.memory_space<hbm>>) target_semaphore(%run_scoped3A : memref<!tpu.dma_semaphore, #tpu.memory_space<semaphore_mem>>)
        %dma_wait3A_74 = arith.constant 0 : i32
        %dma_wait3A_75 = tpu.memref_slice %arg5[%arg0, %add3A_67, %dma_wait3A_74] : memref<2x10240x128xf32, #tpu.memory_space<hbm>> -> memref<1x128x128xf32, #tpu.memory_space<hbm>>
        %dma_wait3A_76 = tpu.memref_squeeze %dma_wait3A_75 : memref<1x128x128xf32, #tpu.memory_space<hbm>> -> memref<128x128xf32, #tpu.memory_space<hbm>>
        %dma_wait3A_77 = arith.constant 0 : i32
        %dma_wait3A_78 = tpu.memref_slice %arg5[%arg0, %add3A_67, %dma_wait3A_77] : memref<2x10240x128xf32, #tpu.memory_space<hbm>> -> memref<1x128x128xf32, #tpu.memory_space<hbm>>
        %dma_wait3A_79 = tpu.memref_squeeze %dma_wait3A_78 : memref<1x128x128xf32, #tpu.memory_space<hbm>> -> memref<128x128xf32, #tpu.memory_space<hbm>>
        tpu.wait_dma2 semaphore(%run_scoped3A : memref<!tpu.dma_semaphore, #tpu.memory_space<semaphore_mem>>) src(%arg10 : memref<128x128xf32, #tpu.memory_space<vmem>>) dst(%dma_wait3A_79 : memref<128x128xf32, #tpu.memory_space<hbm>>)
        tpu.yield
      }) : () -> ()
    }
    %scan3A_63 = arith.constant 5 : i32
    return
  }
}

module attributes {stable_mosaic.version = 14 : i64} {
  func.func @_tc_body(%arg0: i32, %arg1: memref<512x128xf32, #tpu.memory_space<vmem>>, %arg2: memref<1x512x128xf32, #tpu.memory_space<vmem>>, %arg3: memref<1x512x128xf32, #tpu.memory_space<vmem>>, %arg4: memref<128x128xf32, #tpu.memory_space<vmem>>, %arg5: memref<1x128xf32, #tpu.memory_space<vmem>>, %arg6: memref<512x128xf32, #tpu.memory_space<vmem>>) attributes {dimension_semantics = [#tpu.dimension_semantics<arbitrary>], iteration_bounds = array<i64: 20>, scalar_prefetch = 0 : i64, scratch_operands = 0 : i64, tpu.core_type = #tpu.core_type<tc>, window_params = [{transform_indices = @transform_0, window_bounds = array<i64: 512, 128>}, {transform_indices = @transform_1, window_bounds = array<i64: 1, 512, 128>}, {transform_indices = @transform_2, window_bounds = array<i64: 1, 512, 128>}, {pipeline_mode = #tpu.pipeline_mode<synchronous>, transform_indices = @transform_3, window_bounds = array<i64: 128, 128>}, {pipeline_mode = #tpu.pipeline_mode<synchronous>, transform_indices = @transform_4, window_bounds = array<i64: 1, 128>}, {transform_indices = @transform_5, window_bounds = array<i64: 512, 128>}]} {
    %get3A = arith.constant 0 : index
    %get3A_0 = arith.constant 0 : index
    %get3A_1 = arith.constant 0 : index
    %get3A_2 = vector.load %arg2[%get3A, %get3A_0, %get3A_1] : memref<1x512x128xf32, #tpu.memory_space<vmem>>, vector<1x512x128xf32>
    %get3A_3 = vector.shape_cast %get3A_2 : vector<1x512x128xf32> to vector<512x128xf32>
    %get3A_4 = arith.constant 0 : index
    %get3A_5 = arith.constant 0 : index
    %get3A_6 = arith.constant 0 : index
    %get3A_7 = vector.load %arg3[%get3A_4, %get3A_5, %get3A_6] : memref<1x512x128xf32, #tpu.memory_space<vmem>>, vector<1x512x128xf32>
    %get3A_8 = vector.shape_cast %get3A_7 : vector<1x512x128xf32> to vector<512x128xf32>
    %add3A = arith.addf %get3A_3, %get3A_8 : vector<512x128xf32>
    %get3A_9 = arith.constant 0 : index
    %get3A_10 = arith.constant 0 : index
    %get3A_11 = vector.load %arg1[%get3A_9, %get3A_10] : memref<512x128xf32, #tpu.memory_space<vmem>>, vector<512x128xf32>
    %sub3A = arith.subf %add3A, %get3A_11 : vector<512x128xf32>
    %get3A_12 = arith.constant 0 : index
    %get3A_13 = arith.constant 0 : index
    %get3A_14 = vector.load %arg4[%get3A_12, %get3A_13] : memref<128x128xf32, #tpu.memory_space<vmem>>, vector<128x128xf32>
    %dot_general3A = arith.constant dense<0.000000e+00> : vector<512x128xf32>
    %dot_general3A_15 = tpu.matmul %sub3A, %get3A_14, %dot_general3A {dimension_numbers = #tpu.dot_dimension_numbers<[1], [0], [0], [1], [0, 0, 1, 1], [], []>, transpose_lhs_hint = false} : vector<512x128xf32>, vector<128x128xf32>, vector<512x128xf32> -> vector<512x128xf32>
    %get3A_16 = arith.constant 0 : index
    %get3A_17 = arith.constant 0 : index
    %get3A_18 = vector.load %arg5[%get3A_16, %get3A_17] : memref<1x128xf32, #tpu.memory_space<vmem>>, vector<1x128xf32>
    %add3A_19 = vector.broadcast %get3A_18 : vector<1x128xf32> to vector<512x128xf32>
    %add3A_20 = arith.addf %dot_general3A_15, %add3A_19 : vector<512x128xf32>
    %max3A = arith.constant 0.000000e+00 : f32
    %max3A_21 = vector.broadcast %max3A : f32 to vector<512x128xf32>
    %max3A_22 = arith.maximumf %add3A_20, %max3A_21 : vector<512x128xf32>
    %swap3A = arith.constant 0 : index
    %swap3A_23 = arith.constant 0 : index
    %swap3A_24 = vector.load %arg6[%swap3A, %swap3A_23] : memref<512x128xf32, #tpu.memory_space<vmem>>, vector<512x128xf32>
    tpu.vector_store %arg6[%swap3A, %swap3A_23], %max3A_22 {strides = array<i32>} : memref<512x128xf32, #tpu.memory_space<vmem>>, vector<512x128xf32>,
    return
  }
  func.func @transform_0(%arg0: i32) -> (i32, i32) {
    %c0_i32 = arith.constant 0 : i32
    %c0_i32_0 = arith.constant 0 : i32
    return %arg0, %c0_i32 : i32, i32
  }
  func.func @transform_1(%arg0: i32) -> (i32, i32, i32) {
    %c0_i32 = arith.constant 0 : i32
    %c0_i32_0 = arith.constant 0 : i32
    %c0_i32_1 = arith.constant 0 : i32
    return %c0_i32, %arg0, %c0_i32_0 : i32, i32, i32
  }
  func.func @transform_2(%arg0: i32) -> (i32, i32, i32) {
    %c1_i32 = arith.constant 1 : i32
    %c0_i32 = arith.constant 0 : i32
    %c0_i32_0 = arith.constant 0 : i32
    return %c1_i32, %arg0, %c0_i32 : i32, i32, i32
  }
  func.func @transform_3(%arg0: i32) -> (i32, i32) {
    %c0_i32 = arith.constant 0 : i32
    %c0_i32_0 = arith.constant 0 : i32
    %c0_i32_1 = arith.constant 0 : i32
    return %c0_i32, %c0_i32_0 : i32, i32
  }
  func.func @transform_4(%arg0: i32) -> (i32, i32) {
    %c0_i32 = arith.constant 0 : i32
    %c0_i32_0 = arith.constant 0 : i32
    %c0_i32_1 = arith.constant 0 : i32
    return %c0_i32, %c0_i32_0 : i32, i32
  }
  func.func @transform_5(%arg0: i32) -> (i32, i32) {
    %c0_i32 = arith.constant 0 : i32
    %c0_i32_0 = arith.constant 0 : i32
    return %arg0, %c0_i32 : i32, i32
  }
}

</mosaic_0001>

<sc_bundles>
// kernel: kernel.4.cloned.1.call-start
scs
__scs_entry_jumppad:
0x0: {  	(pc) =	sbr.rel $0x88, $3  }
0x1: {  	(tag) =	ssettag $0x0;
	lr =	simm.s32 $0x1  }
0x2: {  	[smem:$0x3F9D] =	sst lr;
	_ =	strace $0xD0000000  }
0x3: {  	_ = 	snop  }
0x4: {  	_ = 	snop  }
0x5: {  	_ = 	snop  }
0x6: {  	_ = 	snop  }
0x7: {  	_ = 	snop  }
__scs_overlays_trampoline_lowered:
0x8: {  	[smem:$0x3FAC] =	sst s0  }
0x9: {  	[smem:$0x3FAD] =	sst s1  }
0xa: {  	[smem:$0x3FAE] =	sst s2  }
0xb: {  	[smem:$0x3FAF] =	sst s3  }
0xc: {  	[smem:$0x3FB0] =	sst s4  }
0xd: {  	[smem:$0x3FB1] =	sst s5  }
0xe: {  	[smem:$0x3FB2] =	sst s6  }
0xf: {  	[smem:$0x3FB3] =	sst s7  }
0x10: {  	[smem:$0x3FB4] =	sst s8  }
0x11: {  	[smem:$0x3FB5] =	sst s9;
	s0 =	simm.s32 @!p0 $0x0  }
0x12: {  	s1 =	sld [smem:$0x3F9B];
	s0 =	simm.s32 @p0 $0x1  }
0x13: {  	[smem:$0x3FB6] =	sst s0;
	s0 =	simm.s32 @!p1 $0x0  }
0x14: {  	s2 =	sld [smem:$0x3F9A];
	s0 =	simm.s32 @p1 $0x1  }
0x15: {  	[smem:$0x3FB7] =	sst s0;
	s0 =	simm.s32 @!p2 $0x0  }
0x16: {  	s3 =	sld [smem:$0x3FDB];
	s0 =	simm.s32 @p2 $0x1  }
0x17: {  	s4 =	simm.s32 $0x1BF5;
	[smem:$0x3FB9] =	sst s0  }
0x18: {  	s0 =	sld [smem:$0x3F9C];
	_ =	swait.ge [sflag:s4], $0x0  }
0x19: {  	s7 =	sld [smem:$0x3F9D]  }
0x1a: {  	s8 =	sadd.s32 $0xFFFFE003, lr  }
0x1b: {  	s9 =	sadd.s32 $0xFFFFFEF7, lr;
	s5 =	simm.s32 $0xFFFFFFFF;
	p2 =	slt.u32 s8, $0xFFFFF086  }
0x1c: {  	p1 =	slt.u32 s9, $0xF7A;
	s5 =	simm.s32 @!p2 $0x0  }
0x1d: {  	s5 =	simm.s32 @p1 $0x1;
	p0 =	seq.s32 s7, s2  }
0x1e: {  	s7 =	smul.u32 @!p0 $0xF7A, s2;
	p2 =	seq.s32 @!p0 s5, $0x0  }
0x1f: {  	s9 =	smul.u32 $0xF7A, s1;
	s8 =	simm.s32 @!p0 $0x1BF5;
	p2 =	por !p2, p0  }
0x20: {  	[sflag:s8] =	ssyncset.s32 @!p0 $0xFFFFF086;
	s6 =	sadd.s32 @!p0 s3, s7;
	s7 =	simm.s32 @!p0 $0x108  }
0x21: {  	s3 =	sadd.s32 s3, s9;
	s6 =	sadd.s32 @!p0 $0x88, s6;
	s7 =	simm.s32 @p2 $0x1082  }
0x22: {  	[simem:s7], [sflag:s8] =	dma.local @!p0 [hbm:s6], $0xF7A  }
0x23: {  	s9 =	sor.u32 $0xD0000000, s2;
	s6 =	simm.s32 $0x108;
	_ =	swait.ge @!p0 [sflag:s8], $0x0  }
0x24: {  	s3 =	sadd.s32 $0x88, s3;
	s6 =	simm.s32 @!p1 $0x1082;
	[sflag:s4] =	ssyncset.s32 $0xFFFFF086  }
0x25: {  	[simem:s6], [sflag:s4] =	dma.local [hbm:s3], $0xF7A  }
0x26: {  	[smem:$0x3F9D] =	sst s1;
	(tag) =	ssettag s2;
	_ =	strace s9  }
0x27: {  	s1 =	sld [smem:$0x3FAD]  }
0x28: {  	s2 =	sld [smem:$0x3FAE]  }
0x29: {  	s4 =	sld [smem:$0x3FB0]  }
0x2a: {  	p0 =	seq.s32 s5, $0x0;
	s5 =	sld [smem:$0x3FB1]  }
0x2b: {  	s6 =	sld [smem:$0x3FB2]  }
0x2c: {  	s7 =	sld [smem:$0x3FB3]  }
0x2d: {  	s3 =	simm.s32 $0x108;
	s8 =	sld [smem:$0x3FB4]  }
0x2e: {  	s3 =	simm.s32 @!p0 $0x1082;
	s9 =	sld [smem:$0x3FB5]  }
0x2f: {  	lr =	sadd.s32 s0, s3;
	s0 =	sld [smem:$0x3FAC]  }
0x30: {  	s3 =	sld [smem:$0x3FAF]  }
0x31: {  	[smem:$0x3FB8] =	sst s10  }
0x32: {  	s10 =	sld [smem:$0x3FB6];
	_ =	sdelay $0x3  }
0x33: {  	p0 =	seq.s32 s10, $0x1;
	s10 =	sld [smem:$0x3FB8];
	_ =	sdelay $0x3  }
0x34: {  	[smem:$0x3FB8] =	sst s10  }
0x35: {  	s10 =	sld [smem:$0x3FB7];
	_ =	sdelay $0x3  }
0x36: {  	p1 =	seq.s32 s10, $0x1;
	s10 =	sld [smem:$0x3FB8];
	_ =	sdelay $0x3  }
0x37: {  	[smem:$0x3FB8] =	sst s10  }
0x38: {  	s10 =	sld [smem:$0x3FB9]  }
0x39: {  	_ = 	snop;
	(pc) =	sbr.ind lr, $3  }
0x3a: {  	_ = 	snop  }
0x3b: {  	_ = 	snop  }
0x3c: {  	p2 =	seq.s32 s10, $0x1;
	s10 =	sld [smem:$0x3FB8]  }
0x3d: {  	_ =	shalt  }
0x3e: {  	_ =	shalt  }
0x3f: {  	_ =	shalt  }
0x40: {  	_ =	shalt  }
0x41: {  	_ =	shalt  }
0x42: {  	_ =	shalt  }
0x43: {  	_ =	shalt  }
0x44: {  	_ =	shalt  }
0x45: {  	_ =	shalt  }
0x46: {  	_ =	shalt  }
0x47: {  	_ =	shalt  }
0x48: {  	_ =	shalt  }
0x49: {  	_ =	shalt  }
0x4a: {  	_ =	shalt  }
0x4b: {  	_ =	shalt  }
0x4c: {  	_ =	shalt  }
0x4d: {  	_ =	shalt  }
0x4e: {  	_ =	shalt  }
0x4f: {  	_ =	shalt  }
0x50: {  	_ =	shalt  }
0x51: {  	_ =	shalt  }
0x52: {  	_ =	shalt  }
0x53: {  	_ =	shalt  }
0x54: {  	_ =	shalt  }
0x55: {  	_ =	shalt  }
0x56: {  	_ =	shalt  }
0x57: {  	_ =	shalt  }
0x58: {  	_ =	shalt  }
0x59: {  	_ =	shalt  }
0x5a: {  	_ =	shalt  }
0x5b: {  	_ =	shalt  }
0x5c: {  	_ =	shalt  }
0x5d: {  	_ =	shalt  }
0x5e: {  	_ =	shalt  }
0x5f: {  	_ =	shalt  }
0x60: {  	_ =	shalt  }
0x61: {  	_ =	shalt  }
0x62: {  	_ =	shalt  }
0x63: {  	_ =	shalt  }
0x64: {  	_ =	shalt  }
0x65: {  	_ =	shalt  }
0x66: {  	_ =	shalt  }
0x67: {  	_ =	shalt  }
0x68: {  	_ =	shalt  }
0x69: {  	_ =	shalt  }
0x6a: {  	_ =	shalt  }
0x6b: {  	_ =	shalt  }
0x6c: {  	_ =	shalt  }
0x6d: {  	_ =	shalt  }
0x6e: {  	_ =	shalt  }
0x6f: {  	_ =	shalt  }
0x70: {  	_ =	shalt  }
0x71: {  	_ =	shalt  }
0x72: {  	_ =	shalt  }
0x73: {  	_ =	shalt  }
0x74: {  	_ =	shalt  }
0x75: {  	_ =	shalt  }
0x76: {  	_ =	shalt  }
0x77: {  	_ =	shalt  }
0x78: {  	_ =	shalt  }
0x79: {  	_ =	shalt  }
0x7a: {  	_ =	shalt  }
0x7b: {  	_ =	shalt  }
0x7c: {  	_ =	shalt  }
0x7d: {  	_ =	shalt  }
0x7e: {  	_ =	shalt  }
0x7f: {  	_ =	shalt  }
0x80: {  	_ =	shalt  }
0x81: {  	_ =	shalt  }
0x82: {  	_ =	shalt  }
0x83: {  	_ =	shalt  }
0x84: {  	_ =	shalt  }
0x85: {  	_ =	shalt  }
0x86: {  	_ =	shalt  }
0x87: {  	_ =	shalt  }
.Lfunc_end0:
.L_simem_size_0:
called_computation_lowered:
.L_overlay_start_0:
0x88: {  	s2 =	sld [smem:$0x3FD9]  }
0x89: {  	s3 =	sld [smem:$0x3FFE];
	_ =	sdelay $0x1  }
0x8a: {  	s1 =	srdreg.scid  }
0x8b: {  	s0 =	sand.u32 $0x1, s1  }
0x8c: {  	s17 =	sshll.u32 s0, $0xA;
	s2 =	sadd.s32 s3, s2  }
0x8d: {  	s2 =	sadd.s32 s2, s17  }
0x8e: {  	[smem:$0x3FC4] =	sst s2  }
0x8f: {  	_ = 	snop  }
0x90: {  	s2 =	sld [smem:$0x3FD0];
	(tm) =	ssettm $0x1  }
0x91: {  	s18 =	sld [smem:$0x3FFB];
	_ =	sdelay $0x3  }
0x92: {  	_ =	strace s18  }
0x93: {  	s3 =	sld [smem:$0x3FFC];
	_ =	sdelay $0x3  }
0x94: {  	_ =	strace s3  }
0x95: {  	s3 =	sld [smem:$0x3FFD];
	_ =	sdelay $0x3  }
0x96: {  	_ =	strace s3  }
0x97: {  	_ =	strace $0x8FFFFFFF  }
0x98: {  	s19 =	sld [smem:$0x3FDB];
	_ =	sdelay $0x1  }
0x99: {  	s4 =	simm.s32 $_scs_section_size  }
0x9a: {  	s5 =	simm.s32 $_size__tile_overlayer_lowered;
	s6 =	simm.s32 $_tile_overlayer_lowered  }
0x9b: {  	s22 =	simm.s32 $0x1BFF;
	s21 =	sshll.u32 s6, $0x1;
	s3 =	sadd.s32 s4, s19  }
0x9c: {  	s7 =	simm.s32 $0x0;
	s20 =	sshll.u32 s5, $0x1;
	s5 =	sadd.s32 s21, s3  }
0x9d: {  	[timem:s7], [sflag:s22] =	dma.local [hbm:s5], s20  }
0x9e: {  	_ =	swait.ge [sflag:s22], s20  }
0x9f: {  	s4 =	ssub.s32 $0x0, s20;
	[sflag:s22] =	ssyncset.done $0x0  }
0xa0: {  	[sflag:s22] =	ssyncadd.s32 s4;
	_ =	sdelay $0x1  }
0xa1: {  	s23 =	simm.s32 $0x1B8B  }
0xa2: {  	_ =	swait.ge [sflag:s23], $0x1  }
0xa3: {  	[sflag:s23] =	ssyncset.done $0x0  }
0xa4: {  	s25 =	simm.s32 $0x1B8E;
	s24 =	sld [smem:$0x3FFE];
	[sflag:s23] =	ssyncadd.s32 $0xFFFFFFFF  }
0xa5: {  	s26 =	simm.s32 $execute0_lowered;
	[smem:$0x3FD2] =	sst s25  }
0xa6: {  	s5 =	sshll.u32 s26, $0x1;
	_ =	strace $0x80000046;
	[dreg:$0x1] =	wrdreg $0xFFFFFFFF  }
0xa7: {  	s28 =	simm.s32 $_size_execute0_lowered;
	s3 =	sadd.s32 s3, s5;
	[dreg:$0x0] =	wrdreg $0x0  }
0xa8: {  	s5 =	sshll.u32 s28, $0x1;
	[dreg:$0x2] =	wrdreg s3  }
0xa9: {  	[dreg:$0x3] =	wrdreg s5  }
0xaa: {  	[dreg:$0x4] =	wrdreg $0xC0  }
0xab: {  	_ =	task [dreg:s7], $0x5FFFF  }
0xac: {  	[dreg:$0x1] =	wrdreg $0xFFFFFFFF  }
0xad: {  	[dreg:$0x0] =	wrdreg $0x60  }
0xae: {  	[dreg:$0x2] =	wrdreg s24  }
0xaf: {  	[dreg:$0x3] =	wrdreg s2  }
0xb0: {  	[dreg:$0x4] =	wrdreg $0x82000  }
0xb1: {  	[dreg:$0x5] =	wrdreg $0x9  }
0xb2: {  	_ =	task.clear_ibuf [dreg:s7], $0x6FFFF;
	_ =	strace $0x90000046  }
0xb3: {  	s29 =	simm.s32 $0x9;
	_ =	strace $0x80000048  }
0xb4: {  	_ =	swait.ge [sflag:s29], $0x1  }
0xb5: {  	[sflag:s29] =	ssyncadd.s32 $0xFFFFFFFF  }
0xb6: {  	_ =	strace $0x90000048  }
0xb7: {  	_ =	sfence  }
0xb8: {  	s30 =	sld [smem:$0x0];
	_ =	sdelay $0x2  }
0xb9: {  	s31 =	sshll.u32 s1, $0xD;
	s1 =	sshrl.u32 s1, $0x2  }
0xba: {  	s3 =	sand.u32 $0x4000, s31;
	s1 =	sadd.s32 s1, s30  }
0xbb: {  	s0 =	sor.u32 s3, s0;
	s1 =	sshll.u32 s1, $0x11  }
0xbc: {  	s0 =	sor.u32 s1, s0  }
0xbd: {  	s0 =	sadd.s32 $0x8F2B, s0  }
0xbe: {  	[sflag:s0] =	ssyncadd.remote.s32 $0x1  }
0xbf: {  	_ =	sfence.sel $0xFFFF  }
0xc0: {  	[dreg:$0x0] =	wrdreg $0xFFFFFFFF;
	(pc) =	sbr.abs _section_cstart, $3  }
0xc1: {  	[dreg:$0x1] =	wrdreg $0xFFFFFFFF  }
0xc2: {  	_ =	task.clear_ibuf [dreg:s7], $0x2FFFF;
	_ =	strace $0x9FFFFFFF  }
0xc3: {  	(tm) =	ssettm $0x7FFFFFFF  }
tec
execute0_lowered:
.L_overlay_start_1:
0x0: {  	(tag) =	ssettag $0x1  }
0x1: {  	s0 =	rddreg [dreg:$0x0]  }
0x2: {  	s1 =	rddreg [dreg:$0x1]  }
0x3: {  	s2 =	rddreg [dreg:$0x2];
	s4 =	simm.s32 $0x0;
	s18 =	stileid.u32  }
0x4: {  	s3 =	srdreg.scid;
	s29 =	simm.s32 $0x100;
	s8 =	smul.u32 $0x280, s18  }
0x5: {  	s30 =	simm.s32 $0x80;
	s31 =	simm.s32 $0x200;
	s11 =	smul.u32 $0x50000, s18  }
0x6: {  	[smem:$0x7FF] =	sst s4;
	s3 =	sand.u32 $0x1, s3;
	s13 =	smul.u32 $0x14000, s18  }
0x7: {  	s6 =	sshll.u32 s18, $0x1;
	s5 =	sadd.s32 $0x600, s0;
	s19 =	smul.u32 $0x2800, s18  }
0x8: {  	_ =	strace $0x80000047;
	s7 =	sor.u32 s3, s6;
	s6 =	sadd.s32 $0x28600, s0  }
0x9: {  	s9 =	ssub.s32 $0x2, s3;
	s0 =	sadd.s32 $0x32600, s0;
	s3 =	smul.u32 $0x140000, s3  }
0xa: {  	s7 =	smul.u32 $0x2800, s7;
	s10 =	sshrl.u32 s9, $0x1;
	s15 =	sadd.s32 $0x100, s8  }
0xb: {  	s16 =	sadd.s32 $0x180, s8;
	s19 =	sadd.s32 s5, s19;
	s9 =	ssub.s32 s9, s10  }
0xc: {  	s23 =	sshll.u32 s15, $0x7;
	s25 =	sshll.u32 s16, $0x7;
	s13 =	sadd.s32 s3, s13  }
0xd: {  	s20 =	sshrl.u32 s7, $0x3;
	s13 =	sshrl.u32 s13, $0x3;
	s22 =	sadd.s32 s3, s23  }
0xe: {  	s24 =	sadd.s32 s3, s25;
	s23 =	sadd.s32 s23, s2;
	s12 =	sadd.s32 s1, s20  }
0xf: {  	s25 =	sadd.s32 s25, s2;
	[dreg:$0x4] =	wrdreg s12;
	s12 =	sadd.s32 $0x80, s8  }
0x10: {  	s13 =	sadd.s32 s0, s13;
	s8 =	sadd.s32 $0x200, s8;
	s14 =	sshll.u32 s12, $0x7  }
0x11: {  	[dreg:$0x5] =	wrdreg s13;
	s28 =	sshll.u32 s8, $0x7;
	s17 =	sadd.s32 s3, s14  }
0x12: {  	s3 =	sadd.s32 s3, s28;
	s28 =	sadd.s32 s28, s2;
	s21 =	sshrl.u32 s17, $0x3  }
0x13: {  	s17 =	sshrl.u32 s24, $0x3;
	s3 =	sshrl.u32 s3, $0x3;
	s24 =	sshll.u32 s16, $0x4  }
0x14: {  	s13 =	sadd.s32 s0, s21;
	s26 =	sadd.s32 s0, s17;
	s17 =	sshrl.u32 s11, $0x2  }
0x15: {  	s21 =	sshll.u32 s12, $0x4;
	s24 =	sadd.s32 s5, s24;
	s11 =	simm.s32 $0x2  }
0x16: {  	s12 =	simm.s32 $0x180;
	[dreg:$0x6] =	wrdreg s13;
	s13 =	sshrl.u32 s22, $0x3  }
0x17: {  	[dreg:$0x8] =	wrdreg s26;
	s17 =	sadd.s32 s17, s2;
	s22 =	sshll.u32 s15, $0x4  }
0x18: {  	s26 =	sshll.u32 s8, $0x4;
	s8 =	simm.s32 $0x1;
	s13 =	sadd.s32 s0, s13  }
0x19: {  	s0 =	sadd.s32 s0, s3;
	s3 =	sadd.s32 s6, s20;
	[dreg:$0x7] =	wrdreg s13  }
0x1a: {  	s22 =	sadd.s32 s5, s22;
	s26 =	sadd.s32 s5, s26;
	[dreg:$0x9] =	wrdreg s0  }
0x1b: {  	[dreg:$0xa] =	wrdreg s3;
	s13 =	sor.u32 $0x10, s20;
	s20 =	smax.u32 s9, $0x1  }
0x1c: {  	s3 =	simm.s32 $0x3;
	s9 =	simm.s32 $0x4;
	s10 =	sadd.s32 s1, s13  }
0x1d: {  	s0 =	sadd.s32 s6, s13;
	[dreg:$0xd] =	wrdreg s20;
	s20 =	sadd.s32 s5, s21  }
0x1e: {  	s21 =	sadd.s32 s14, s2;
	s13 =	simm.s32 $0x0;
	[dreg:$0xb] =	wrdreg s10  }
0x1f: {  	[dreg:$0xc] =	wrdreg s0;
	s0 =	simm.s32 $0x5;
	s10 =	simm.s32 $0x4200  }
.LBB2_1:
0x20: {  	s14 =	rddreg [dreg:$0x4]  }
0x21: {  	[tilespmem:s4], [sflag:$0x3] =	stream.linear.gather [hbm4b:s14+s4], $0x80, $0x38;
	[tilespmem:$0x1C200] =	vst v63  }
0x22: {  	s16 =	rddreg [dreg:$0xa]  }
0x23: {  	[tilespmem:s29], [sflag:$0x3] =	stream.linear.gather [hbm4b:s16+s4], $0x80, $0x38;
	[tilespmem:$0x1C200] =	vst v63  }
0x24: {  	s18 =	rddreg [dreg:$0xb]  }
0x25: {  	[tilespmem:s30], [sflag:$0x4] =	stream.linear.gather [hbm4b:s18+s4], $0x80, $0x38;
	[tilespmem:$0x1C200] =	vst v63  }
0x26: {  	s15 =	rddreg [dreg:$0xc]  }
0x27: {  	[tilespmem:s12], [sflag:$0x4] =	stream.linear.gather [hbm4b:s15+s4], $0x80, $0x38;
	[tilespmem:$0x1C200] =	vst v63  }
0x28: {  	_ = 	snop  }
0x29: {  	[tilespmem:s31], [sflag:$0x5] =	stream.linear.gather [hbm4b:s19+s4], $0x4000, $0x38;
	[tilespmem:$0x1C200] =	vst v63  }
0x2a: {  	_ =	swait.ge [sflag:s0], $0x4000  }
0x2b: {  	[sflag:s0] =	ssyncset.done $0x0  }
0x2c: {  	[sflag:s0] =	ssyncadd.s32 $0xFFFFC000  }
0x2d: {  	[spmem:s17] =	stream.linear.scatter [tilespmem:s31], [sflag:$0x5], $0x4000, $0x38;
	[tilespmem:$0x1C200] =	vst v63  }
0x2e: {  	_ =	swait.ge [sflag:s0], $0x4000  }
0x2f: {  	[sflag:s0] =	ssyncset.done $0x0  }
0x30: {  	[sflag:s0] =	ssyncadd.s32 $0xFFFFC000  }
0x31: {  	[tilespmem:s31], [sflag:$0x5] =	stream.linear.gather [hbm4b:s20+s4], $0x4000, $0x38;
	[tilespmem:$0x1C200] =	vst v63  }
0x32: {  	_ =	swait.ge [sflag:s0], $0x4000  }
0x33: {  	[sflag:s0] =	ssyncset.done $0x0  }
0x34: {  	[sflag:s0] =	ssyncadd.s32 $0xFFFFC000  }
0x35: {  	[spmem:s21] =	stream.linear.scatter [tilespmem:s31], [sflag:$0x5], $0x4000, $0x38;
	[tilespmem:$0x1C200] =	vst v63  }
0x36: {  	_ =	swait.ge [sflag:s0], $0x4000  }
0x37: {  	[sflag:s0] =	ssyncset.done $0x0  }
0x38: {  	[sflag:s0] =	ssyncadd.s32 $0xFFFFC000  }
0x39: {  	[tilespmem:s31], [sflag:$0x5] =	stream.linear.gather [hbm4b:s22+s4], $0x4000, $0x38;
	[tilespmem:$0x1C200] =	vst v63  }
0x3a: {  	_ =	swait.ge [sflag:s0], $0x4000  }
0x3b: {  	[sflag:s0] =	ssyncset.done $0x0  }
0x3c: {  	[sflag:s0] =	ssyncadd.s32 $0xFFFFC000  }
0x3d: {  	[spmem:s23] =	stream.linear.scatter [tilespmem:s31], [sflag:$0x5], $0x4000, $0x38;
	[tilespmem:$0x1C200] =	vst v63  }
0x3e: {  	_ =	swait.ge [sflag:s0], $0x4000  }
0x3f: {  	[sflag:s0] =	ssyncset.done $0x0  }
0x40: {  	[sflag:s0] =	ssyncadd.s32 $0xFFFFC000  }
0x41: {  	[tilespmem:s31], [sflag:$0x5] =	stream.linear.gather [hbm4b:s24+s4], $0x4000, $0x38;
	[tilespmem:$0x1C200] =	vst v63  }
0x42: {  	_ =	swait.ge [sflag:s0], $0x4000  }
0x43: {  	[sflag:s0] =	ssyncset.done $0x0  }
0x44: {  	[sflag:s0] =	ssyncadd.s32 $0xFFFFC000  }
0x45: {  	[spmem:s25] =	stream.linear.scatter [tilespmem:s31], [sflag:$0x5], $0x4000, $0x38;
	[tilespmem:$0x1C200] =	vst v63  }
0x46: {  	_ =	swait.ge [sflag:s0], $0x4000  }
0x47: {  	[sflag:s0] =	ssyncset.done $0x0  }
0x48: {  	[sflag:s0] =	ssyncadd.s32 $0xFFFFC000  }
0x49: {  	[tilespmem:s31], [sflag:$0x5] =	stream.linear.gather [hbm4b:s26+s4], $0x4000, $0x38;
	[tilespmem:$0x1C200] =	vst v63  }
0x4a: {  	_ =	swait.ge [sflag:s0], $0x4000  }
0x4b: {  	[sflag:s0] =	ssyncset.done $0x0  }
0x4c: {  	[sflag:s0] =	ssyncadd.s32 $0xFFFFC000  }
0x4d: {  	[spmem:s28] =	stream.linear.scatter [tilespmem:s31], [sflag:$0x5], $0x4000, $0x38;
	[tilespmem:$0x1C200] =	vst v63  }
0x4e: {  	_ =	swait.ge [sflag:s0], $0x4000  }
0x4f: {  	[sflag:s0] =	ssyncset.done $0x0  }
0x50: {  	[sflag:s0] =	ssyncadd.s32 $0xFFFFC000  }
0x51: {  	[bflag:$0x0] =	sbarrier.arrive $0xFFFF  }
0x52: {  	_ =	swait.ge [sflag:s3], $0x80  }
0x53: {  	[sflag:s3] =	ssyncset.done $0x0  }
0x54: {  	[sflag:s3] =	ssyncadd.s32 $0xFFFFFF80  }
0x55: {  	_ =	swait.ge [sflag:s3], $0x80  }
0x56: {  	[sflag:s3] =	ssyncset.done $0x0  }
0x57: {  	[sflag:s3] =	ssyncadd.s32 $0xFFFFFF80  }
0x58: {  	[tilespmem:s31], [sflag:$0x1] =	stream.indirect.gather [hbm4b:s5+s30], $0x80, s4, s30, $0xb8;
	[tilespmem:$0x1C200] =	vst v63  }
0x59: {  	_ =	swait.ge [sflag:s8], $0x4000  }
0x5a: {  	[sflag:s8] =	ssyncset.done $0x0  }
0x5b: {  	[sflag:s8] =	ssyncadd.s32 $0xFFFFC000  }
0x5c: {  	_ =	swait.ge [sflag:s9], $0x80  }
0x5d: {  	[sflag:s9] =	ssyncset.done $0x0  }
0x5e: {  	[sflag:s9] =	ssyncadd.s32 $0xFFFFFF80  }
0x5f: {  	_ =	swait.ge [sflag:s9], $0x80  }
0x60: {  	s16 =	simm.s32 $0x100;
	[sflag:s9] =	ssyncset.done $0x0  }
0x61: {  	s15 =	sand.u32 $0x7C00, s16;
	[sflag:s9] =	ssyncadd.s32 $0xFFFFFF80  }
0x62: {  	[tilespmem:s10], [sflag:$0x2] =	stream.indirect.gather [hbm4b:s5+s30], $0x80, s30, s30, $0xb8;
	[tilespmem:$0x1C200] =	vst v63  }
0x63: {  	s14 =	sand.u32 $0x300, s16;
	s15 =	sadd.s32 s7, s15  }
0x64: {  	[spmem:s2] =	stream.indirect.scatter.add.f32 [tilespmem:s31], [sflag:$0x5], $0x80, s29, s30, $0xb8;
	[tilespmem:$0x1C200] =	vst v63  }
0x65: {  	s14 =	sor.u32 s14, s15;
	_ =	swait.ge [sflag:s0], $0x4000  }
0x66: {  	s14 =	sshrl.u32 s14, $0x3;
	[sflag:s0] =	ssyncset.done $0x0  }
0x67: {  	s18 =	sadd.s32 s1, s14;
	[sflag:s0] =	ssyncadd.s32 $0xFFFFC000  }
0x68: {  	[tilespmem:s4], [sflag:$0x3] =	stream.linear.gather [hbm4b:s18+s4], $0x80, $0x38;
	[tilespmem:$0x1C200] =	vst v63  }
0x69: {  	s14 =	sadd.s32 s6, s14  }
0x6a: {  	[tilespmem:s29], [sflag:$0x3] =	stream.linear.gather [hbm4b:s14+s4], $0x80, $0x38;
	[tilespmem:$0x1C200] =	vst v63  }
0x6b: {  	_ =	swait.ge [sflag:s11], $0x4000  }
0x6c: {  	[sflag:s11] =	ssyncset.done $0x0  }
0x6d: {  	[sflag:s11] =	ssyncadd.s32 $0xFFFFC000  }
0x6e: {  	_ =	swait.ge [sflag:s3], $0x80  }
0x6f: {  	[sflag:s3] =	ssyncset.done $0x0  }
0x70: {  	[sflag:s3] =	ssyncadd.s32 $0xFFFFFF80  }
0x71: {  	_ =	swait.ge [sflag:s3], $0x80  }
0x72: {  	[sflag:s3] =	ssyncset.done $0x0  }
0x73: {  	s16 =	sand.u32 $0x7C00, s12;
	[sflag:s3] =	ssyncadd.s32 $0xFFFFFF80  }
0x74: {  	[tilespmem:s31], [sflag:$0x1] =	stream.indirect.gather [hbm4b:s5+s30], $0x80, s4, s30, $0xb8;
	[tilespmem:$0x1C200] =	vst v63  }
0x75: {  	s18 =	sand.u32 $0x380, s12;
	s14 =	sadd.s32 s7, s16  }
0x76: {  	[spmem:s2] =	stream.indirect.scatter.add.f32 [tilespmem:s10], [sflag:$0x5], $0x80, s12, s30, $0xb8;
	[tilespmem:$0x1C200] =	vst v63  }
0x77: {  	s14 =	sor.u32 s18, s14;
	_ =	swait.ge [sflag:s0], $0x4000  }
0x78: {  	s15 =	sshrl.u32 s14, $0x3;
	[sflag:s0] =	ssyncset.done $0x0  }
0x79: {  	s14 =	sadd.s32 s1, s15;
	[sflag:s0] =	ssyncadd.s32 $0xFFFFC000  }
0x7a: {  	[tilespmem:s30], [sflag:$0x4] =	stream.linear.gather [hbm4b:s14+s4], $0x80, $0x38;
	[tilespmem:$0x1C200] =	vst v63  }
0x7b: {  	s16 =	sadd.s32 s6, s15;
	s14 =	simm.s32 $0x280  }
.LBB2_2:
0x7c: {  	p0 =	sne.s32 s14, $0x2780;
	s15 =	smov.u32 s14;
	s14 =	sadd.s32 $0x100, s14  }
0x7d: {  	[tilespmem:s12], [sflag:$0x4] =	stream.linear.gather [hbm4b:s16+s4], $0x80, $0x38;
	[tilespmem:$0x1C200] =	vst v63  }
0x7e: {  	_ =	swait.ge [sflag:s8], $0x4000  }
0x7f: {  	[sflag:s8] =	ssyncset.done $0x0  }
0x80: {  	[sflag:s8] =	ssyncadd.s32 $0xFFFFC000  }
0x81: {  	_ =	swait.ge [sflag:s9], $0x80  }
0x82: {  	[sflag:s9] =	ssyncset.done $0x0  }
0x83: {  	[sflag:s9] =	ssyncadd.s32 $0xFFFFFF80  }
0x84: {  	_ =	swait.ge [sflag:s9], $0x80  }
0x85: {  	[sflag:s9] =	ssyncset.done $0x0  }
0x86: {  	s16 =	sadd.s32 $0xFFFFFF80, s15;
	[sflag:s9] =	ssyncadd.s32 $0xFFFFFF80  }
0x87: {  	[tilespmem:s10], [sflag:$0x2] =	stream.indirect.gather [hbm4b:s5+s30], $0x80, s30, s30, $0xb8;
	[tilespmem:$0x1C200] =	vst v63  }
0x88: {  	s18 =	sand.u32 $0x7C00, s16;
	s16 =	sand.u32 $0x300, s16  }
0x89: {  	[spmem:s2] =	stream.indirect.scatter.add.f32 [tilespmem:s31], [sflag:$0x5], $0x80, s29, s30, $0xb8;
	[tilespmem:$0x1C200] =	vst v63  }
0x8a: {  	s18 =	sadd.s32 s7, s18;
	_ =	swait.ge [sflag:s0], $0x4000  }
0x8b: {  	s16 =	sor.u32 s16, s18;
	[sflag:s0] =	ssyncset.done $0x0  }
0x8c: {  	s16 =	sshrl.u32 s16, $0x3;
	[sflag:s0] =	ssyncadd.s32 $0xFFFFC000  }
0x8d: {  	s18 =	sadd.s32 s1, s16;
	s16 =	sadd.s32 s6, s16  }
0x8e: {  	[tilespmem:s4], [sflag:$0x3] =	stream.linear.gather [hbm4b:s18+s4], $0x80, $0x38;
	[tilespmem:$0x1C200] =	vst v63  }
0x8f: {  	_ = 	snop  }
0x90: {  	[tilespmem:s29], [sflag:$0x3] =	stream.linear.gather [hbm4b:s16+s4], $0x80, $0x38;
	[tilespmem:$0x1C200] =	vst v63  }
0x91: {  	_ =	swait.ge [sflag:s11], $0x4000  }
0x92: {  	[sflag:s11] =	ssyncset.done $0x0  }
0x93: {  	[sflag:s11] =	ssyncadd.s32 $0xFFFFC000  }
0x94: {  	_ =	swait.ge [sflag:s3], $0x80  }
0x95: {  	[sflag:s3] =	ssyncset.done $0x0  }
0x96: {  	[sflag:s3] =	ssyncadd.s32 $0xFFFFFF80  }
0x97: {  	_ =	swait.ge [sflag:s3], $0x80  }
0x98: {  	[sflag:s3] =	ssyncset.done $0x0  }
0x99: {  	s16 =	sand.u32 $0x7C00, s15;
	[sflag:s3] =	ssyncadd.s32 $0xFFFFFF80  }
0x9a: {  	[tilespmem:s31], [sflag:$0x1] =	stream.indirect.gather [hbm4b:s5+s30], $0x80, s4, s30, $0xb8;
	[tilespmem:$0x1C200] =	vst v63  }
0x9b: {  	s15 =	sand.u32 $0x380, s15;
	s16 =	sadd.s32 s7, s16  }
0x9c: {  	[spmem:s2] =	stream.indirect.scatter.add.f32 [tilespmem:s10], [sflag:$0x5], $0x80, s12, s30, $0xb8;
	[tilespmem:$0x1C200] =	vst v63  }
.Ltmp0:
0x9d: {  	_ = 	snop;
	(pc) =	sbr.rel @p0 .LBB2_2-.Ltmp0, $4  }
0x9e: {  	s15 =	sor.u32 s15, s16;
	_ =	swait.ge [sflag:s0], $0x4000  }
0x9f: {  	s15 =	sshrl.u32 s15, $0x3;
	[sflag:s0] =	ssyncset.done $0x0  }
0xa0: {  	s18 =	sadd.s32 s1, s15;
	s16 =	sadd.s32 s6, s15;
	[sflag:s0] =	ssyncadd.s32 $0xFFFFC000  }
0xa1: {  	[tilespmem:s30], [sflag:$0x4] =	stream.linear.gather [hbm4b:s18+s4], $0x80, $0x38;
	[tilespmem:$0x1C200] =	vst v63  }
0xa2: {  	[tilespmem:s12], [sflag:$0x4] =	stream.linear.gather [hbm4b:s16+s4], $0x80, $0x38;
	[tilespmem:$0x1C200] =	vst v63  }
0xa3: {  	_ =	swait.ge [sflag:s8], $0x4000  }
0xa4: {  	[sflag:s8] =	ssyncset.done $0x0  }
0xa5: {  	[sflag:s8] =	ssyncadd.s32 $0xFFFFC000  }
0xa6: {  	_ =	swait.ge [sflag:s9], $0x80  }
0xa7: {  	[sflag:s9] =	ssyncset.done $0x0  }
0xa8: {  	[sflag:s9] =	ssyncadd.s32 $0xFFFFFF80  }
0xa9: {  	_ =	swait.ge [sflag:s9], $0x80  }
0xaa: {  	[sflag:s9] =	ssyncset.done $0x0  }
0xab: {  	[sflag:s9] =	ssyncadd.s32 $0xFFFFFF80  }
0xac: {  	[tilespmem:s10], [sflag:$0x2] =	stream.indirect.gather [hbm4b:s5+s30], $0x80, s30, s30, $0xb8;
	[tilespmem:$0x1C200] =	vst v63  }
0xad: {  	_ = 	snop  }
0xae: {  	[spmem:s2] =	stream.indirect.scatter.add.f32 [tilespmem:s31], [sflag:$0x5], $0x80, s29, s30, $0xb8;
	[tilespmem:$0x1C200] =	vst v63  }
0xaf: {  	_ =	swait.ge [sflag:s0], $0x4000  }
0xb0: {  	[sflag:s0] =	ssyncset.done $0x0  }
0xb1: {  	[sflag:s0] =	ssyncadd.s32 $0xFFFFC000  }
0xb2: {  	_ =	swait.ge [sflag:s11], $0x4000  }
0xb3: {  	[sflag:s11] =	ssyncset.done $0x0  }
0xb4: {  	[sflag:s11] =	ssyncadd.s32 $0xFFFFC000  }
0xb5: {  	[spmem:s2] =	stream.indirect.scatter.add.f32 [tilespmem:s10], [sflag:$0x5], $0x80, s12, s30, $0xb8;
	[tilespmem:$0x1C200] =	vst v63  }
0xb6: {  	_ =	swait.ge [sflag:s0], $0x4000  }
0xb7: {  	[sflag:s0] =	ssyncset.done $0x0  }
0xb8: {  	[sflag:s0] =	ssyncadd.s32 $0xFFFFC000  }
0xb9: {  	[bflag:$0x0] =	sbarrier.arrive $0xFFFF  }
0xba: {  	[tilespmem:s31], [sflag:$0x5] =	stream.linear.gather [spmem:s17], $0x4000, $0x38;
	[tilespmem:$0x1C200] =	vst v63  }
0xbb: {  	_ =	swait.ge [sflag:s0], $0x4000  }
0xbc: {  	[sflag:s0] =	ssyncset.done $0x0  }
0xbd: {  	s14 =	rddreg [dreg:$0x5];
	[sflag:s0] =	ssyncadd.s32 $0xFFFFC000  }
0xbe: {  	[hbm4b:s14+s4] =	stream.linear.scatter [tilespmem:s31], [sflag:$0x5], $0x4000, $0x38;
	[tilespmem:$0x1C200] =	vst v63  }
0xbf: {  	_ =	swait.ge [sflag:s0], $0x4000  }
0xc0: {  	[sflag:s0] =	ssyncset.done $0x0  }
0xc1: {  	[sflag:s0] =	ssyncadd.s32 $0xFFFFC000  }
0xc2: {  	[tilespmem:s31], [sflag:$0x5] =	stream.linear.gather [spmem:s21], $0x4000, $0x38;
	[tilespmem:$0x1C200] =	vst v63  }
0xc3: {  	_ =	swait.ge [sflag:s0], $0x4000  }
0xc4: {  	[sflag:s0] =	ssyncset.done $0x0  }
0xc5: {  	s16 =	rddreg [dreg:$0x6];
	[sflag:s0] =	ssyncadd.s32 $0xFFFFC000  }
0xc6: {  	[hbm4b:s16+s4] =	stream.linear.scatter [tilespmem:s31], [sflag:$0x5], $0x4000, $0x38;
	[tilespmem:$0x1C200] =	vst v63  }
0xc7: {  	_ =	swait.ge [sflag:s0], $0x4000  }
0xc8: {  	[sflag:s0] =	ssyncset.done $0x0  }
0xc9: {  	[sflag:s0] =	ssyncadd.s32 $0xFFFFC000  }
0xca: {  	[tilespmem:s31], [sflag:$0x5] =	stream.linear.gather [spmem:s23], $0x4000, $0x38;
	[tilespmem:$0x1C200] =	vst v63  }
0xcb: {  	_ =	swait.ge [sflag:s0], $0x4000  }
0xcc: {  	[sflag:s0] =	ssyncset.done $0x0  }
0xcd: {  	s18 =	rddreg [dreg:$0x7];
	[sflag:s0] =	ssyncadd.s32 $0xFFFFC000  }
0xce: {  	[hbm4b:s18+s4] =	stream.linear.scatter [tilespmem:s31], [sflag:$0x5], $0x4000, $0x38;
	[tilespmem:$0x1C200] =	vst v63  }
0xcf: {  	_ =	swait.ge [sflag:s0], $0x4000  }
0xd0: {  	[sflag:s0] =	ssyncset.done $0x0  }
0xd1: {  	[sflag:s0] =	ssyncadd.s32 $0xFFFFC000  }
0xd2: {  	[tilespmem:s31], [sflag:$0x5] =	stream.linear.gather [spmem:s25], $0x4000, $0x38;
	[tilespmem:$0x1C200] =	vst v63  }
0xd3: {  	_ =	swait.ge [sflag:s0], $0x4000  }
0xd4: {  	[sflag:s0] =	ssyncset.done $0x0  }
0xd5: {  	s15 =	rddreg [dreg:$0x8];
	[sflag:s0] =	ssyncadd.s32 $0xFFFFC000  }
0xd6: {  	[hbm4b:s15+s4] =	stream.linear.scatter [tilespmem:s31], [sflag:$0x5], $0x4000, $0x38;
	[tilespmem:$0x1C200] =	vst v63  }
0xd7: {  	_ =	swait.ge [sflag:s0], $0x4000  }
0xd8: {  	[sflag:s0] =	ssyncset.done $0x0  }
0xd9: {  	[sflag:s0] =	ssyncadd.s32 $0xFFFFC000  }
0xda: {  	[tilespmem:s31], [sflag:$0x5] =	stream.linear.gather [spmem:s28], $0x4000, $0x38;
	[tilespmem:$0x1C200] =	vst v63  }
0xdb: {  	_ =	swait.ge [sflag:s0], $0x4000  }
0xdc: {  	[sflag:s0] =	ssyncset.done $0x0  }
0xdd: {  	s16 =	rddreg [dreg:$0x9];
	[sflag:s0] =	ssyncadd.s32 $0xFFFFC000  }
0xde: {  	[hbm4b:s16+s4] =	stream.linear.scatter [tilespmem:s31], [sflag:$0x5], $0x4000, $0x38;
	[tilespmem:$0x1C200] =	vst v63  }
0xdf: {  	_ =	swait.ge [sflag:s0], $0x4000  }
0xe0: {  	s13 =	sadd.s32 $0x1, s13;
	s18 =	rddreg [dreg:$0xd]  }
0xe1: {  	p0 =	sne.s32 s13, s18  }
.Ltmp1:
0xe2: {  	_ = 	snop;
	(pc) =	sbr.rel @p0 .LBB2_1-.Ltmp1, $3  }
0xe3: {  	_ =	sdelay $0x1  }
0xe4: {  	[sflag:s0] =	ssyncset.done $0x0  }
0xe5: {  	[sflag:s0] =	ssyncadd.s32 $0xFFFFC000  }
0xe6: {  	_ =	sfence.sel $0x180000  }
0xe7: {  	[bflag:$0x0] =	sbarrier.arrive $0xFFFF  }
0xe8: {  	_ =	strace $0x90000047  }
0xe9: {  	s0 =	stileid.u32;
	[bflag:$0x2] =	sbarrier.arrive $0xFFFF  }
0xea: {  	p0 =	sne.s32 s0, $0x0;
	s0 =	rddreg [dreg:$0x3]  }
0xeb: {  	s0 =	sadd.s32 @!p0 $0x100000, s0  }
0xec: {  	[sflag:s0] =	ssyncadd.tile.s32 @!p0 $0x1;
	_ =	shalt  }
.Lfunc_end2:
_tile_overlayer_lowered:
.L_overlay_start_2:
0xed: {  	(tag) =	ssettag $0x2  }
0xee: {  	s0 =	rddreg [dreg:$0x0];
	s2 =	stileid.u32  }
0xef: {  	s1 =	rddreg [dreg:$0x1];
	p0 =	sne.s32 s2, $0x0  }
0xf0: {  	s3 =	rddreg [dreg:$0x2];
	[bflag:$0x3] =	sbarrier.arrive $0xFFFF;
	s2 =	simm.s32 @!p0 $0x1C05  }
0xf1: {  	[timem:s3], [sflag:s2] =	dma.local @!p0 [hbm:s0], s1  }
0xf2: {  	s0 =	simm.s32 @!p0 $0x5  }
0xf3: {  	_ =	swait.ge @!p0 [sflag:s0], s1  }
0xf4: {  	s1 =	ssub.s32 @!p0 $0x0, s1;
	[sflag:s0] =	ssyncset.done @!p0 $0x0  }
0xf5: {  	[sflag:s0] =	ssyncadd.s32 @!p0 s1  }
0xf6: {  	[bflag:$0x3] =	sbarrier.arrive $0xFFFF  }
0xf7: {  	_ =	shalt  }

</sc_bundles>
